<compile_context>
chip_gen: v7x
topology: tpu7x:2x2x1
jax: 0.10.2.dev20260603
libtpu: 0.0.44.dev20260713+nightly
codegen_flags: <defaults>
</compile_context>

<pallas_src>
import functools

import jax
import jax.numpy as jnp
from jax import lax
from jax.experimental import pallas as pl
from jax.experimental.pallas import tpu as pltpu
from jax.experimental.pallas import tpu_sc as plsc

KK = 8192
DD = 64
NN = 65536
BETA_C = 0.25

NB = 2048
KC = 1024
N_BLOCKS = NN // NB
N_CHUNKS = KK // KC

NC, NS = 2, 16
NW = NC * NS
RPW = NN // NW
CH = 128
NCH = RPW // CH


def _dist_argmin_body(x_ref, cb_ref, idx_ref, loss_ref):
    i = pl.program_id(0)
    xb = x_ref[...]
    xsq = jnp.sum(xb * xb, axis=1, keepdims=True).T
    best_v = jnp.full((1, NB), jnp.inf, jnp.float32)
    best_lo = jnp.zeros((1, NB), jnp.int32)
    best_ch = jnp.zeros((1, NB), jnp.int32)
    io = lax.broadcasted_iota(jnp.int32, (KC, NB), 0)
    for j in range(N_CHUNKS):
        cb2 = cb_ref[pl.ds(j * KC, KC), :]
        csq = 0.25 * jnp.sum(cb2 * cb2, axis=1, keepdims=True)
        mm2 = lax.dot_general(cb2, xb, (((1,), (1,)), ((), ())),
                              preferred_element_type=jnp.float32)
        d = (xsq + mm2) + csq
        cmin = jnp.min(d, axis=0, keepdims=True)
        cidx = jnp.min(jnp.where(d == cmin, io, jnp.int32(2**30)),
                       axis=0, keepdims=True)
        upd = cmin < best_v
        best_v = jnp.where(upd, cmin, best_v)
        best_lo = jnp.where(upd, cidx, best_lo)
        best_ch = jnp.where(upd, jnp.full((1, NB), j, jnp.int32), best_ch)
        if j == N_CHUNKS // 2 - 1:
            best_v = best_v.astype(jnp.bfloat16).astype(jnp.float32)
    best_i = best_ch * KC + best_lo
    idx_ref[...] = best_i.reshape(1, 1, NB)
    part = jnp.sum(best_v, keepdims=True) * ((1.0 + BETA_C) / (NN * DD))
    prev = jnp.where(i == 0, jnp.zeros((1, 1), jnp.float32), loss_ref[...])
    loss_ref[...] = prev + part


def _dist_argmin(flat, codebook):
    return pl.pallas_call(
        _dist_argmin_body,
        grid=(N_BLOCKS,),
        in_specs=[
            pl.BlockSpec((NB, DD), lambda i: (i, 0)),
            pl.BlockSpec((KK, DD), lambda i: (0, 0)),
        ],
        out_specs=[
            pl.BlockSpec((1, 1, NB), lambda i: (i, 0, 0)),
            pl.BlockSpec((1, 1), lambda i: (0, 0)),
        ],
        out_shape=[
            jax.ShapeDtypeStruct((N_BLOCKS, 1, NB), jnp.int32),
            jax.ShapeDtypeStruct((1, 1), jnp.float32),
        ],
    )(flat, codebook)


def _sc_gather_count_body(idx_hbm, cb_hbm, zeros_hbm, out_hbm, cnt_hbm,
                          idx_v, rows_a, rows_b, ones_v, shared_cnt,
                          sem_a, sem_b):
    cid = lax.axis_index("c")
    sid = lax.axis_index("s")
    wid = sid * NC + cid
    base16 = wid * NCH
    base_row = wid * RPW

    pltpu.sync_copy(idx_hbm.at[pl.ds(base16, NCH)], idx_v)

    for t in range(CH // 16):
        ones_v[pl.ds(t * 16, 16)] = jnp.ones((16,), jnp.float32)

    @pl.when(sid == 0)
    def _():
        pltpu.sync_copy(zeros_hbm, shared_cnt)

    plsc.subcore_barrier()

    bufs = (rows_a, rows_b)
    sems = (sem_a, sem_b)
    cps = [None, None]
    cps[0] = pltpu.async_copy(cb_hbm.at[idx_v.at[0]], bufs[0], sems[0])
    for j in range(NCH):
        p = j % 2
        if j + 1 < NCH:
            cps[1 - p] = pltpu.async_copy(
                cb_hbm.at[idx_v.at[j + 1]], bufs[1 - p], sems[1 - p])
        pltpu.sync_copy(ones_v, shared_cnt.at[idx_v.at[j]], add=True)
        cps[p].wait()
        pltpu.sync_copy(bufs[p], out_hbm.at[pl.ds(base_row + j * CH, CH)])

    plsc.subcore_barrier()

    @pl.when(sid == 0)
    def _():
        pltpu.sync_copy(shared_cnt, cnt_hbm.at[cid])


def _sc_gather_count(idx2d, codebook, zeros_k):
    mesh = plsc.VectorSubcoreMesh(
        core_axis_name="c", subcore_axis_name="s",
        num_cores=NC, num_subcores=NS)
    kern = functools.partial(
        pl.kernel,
        out_type=[
            jax.ShapeDtypeStruct((NN, DD), jnp.float32),
            jax.ShapeDtypeStruct((NC, KK), jnp.float32),
        ],
        mesh=mesh,
        scratch_types=[
            pltpu.VMEM((NCH, CH), jnp.int32),
            pltpu.VMEM((CH, DD), jnp.float32),
            pltpu.VMEM((CH, DD), jnp.float32),
            pltpu.VMEM((CH,), jnp.float32),
            pltpu.VMEM_SHARED((KK,), jnp.float32),
            pltpu.SemaphoreType.DMA,
            pltpu.SemaphoreType.DMA,
        ],
        compiler_params=pltpu.CompilerParams(use_tc_tiling_on_sc=False),
    )(_sc_gather_count_body)
    return kern(idx2d, codebook, zeros_k)


def _perp_body(cnt_ref, perp_ref):
    c = cnt_ref[...]
    counts = c[0:1, :] + c[1:2, :]
    probs = counts * (1.0 / NN)
    ent = probs * jnp.log(probs + 1e-10)
    perp_ref[...] = jnp.exp(-jnp.sum(ent, keepdims=True))


def _perplexity(counts2):
    return pl.pallas_call(
        _perp_body,
        out_shape=jax.ShapeDtypeStruct((1, 1), jnp.float32),
    )(counts2)


def kernel(x, codebook):
    b, t, d = x.shape
    idx3, loss = _dist_argmin(x.reshape(NN, DD), -2.0 * codebook)
    idx2d = idx3.reshape(NN // CH, CH)
    zeros_k = jnp.zeros((KK,), jnp.float32)
    quant, counts2 = _sc_gather_count(idx2d, codebook, zeros_k)
    perp = _perplexity(counts2)
    indices = idx3.reshape(b, t)
    quant_out = quant.reshape(b, t, d)
    return quant_out, loss[0, 0], indices, perp[0, 0]

# --- scband reference (transcript-rebuilt; emitter-appended) ---
"""Pipeline reference for scband-vector-quantize-59313498357808 (READ-ONLY COPY).

The authoritative reference and input builder live on the scoring server;
editing this copy changes nothing except your own understanding.
"""

import jax, jax.numpy as jnp
import numpy as np

CODEBOOK_SIZE = 8192
DIM_FEATURE = 64
BETA = 0.25


def setup_inputs(seed: int = 0) -> dict:
    key = jax.random.key(seed)
    k1, k2 = jax.random.split(key)
    x = jax.random.normal(k1, (64, 1024, DIM_FEATURE), dtype=jnp.float32)
    # kaiming-uniform style init for the codebook (fan_in = DIM_FEATURE)
    bound = float(np.sqrt(6.0 / DIM_FEATURE))
    codebook = jax.random.uniform(k2, (CODEBOOK_SIZE, DIM_FEATURE), dtype=jnp.float32, minval=-bound, maxval=bound)
    return {"x": x, "codebook": codebook}


def reference(x, codebook):
    # Faithful VQ-VAE quantization forward (l2 distance, ema_update=False,
    # kmeans_init=False, straight-through estimator on the output).
    B, T, D = x.shape
    flat = x.reshape(-1, D)  # (N, D)
    # squared l2 distance between every token and every codebook entry
    x_sq = jnp.sum(flat * flat, axis=1, keepdims=True)            # (N, 1)
    c_sq = jnp.sum(codebook * codebook, axis=1)[None, :]           # (1, K)
    dists = x_sq - 2.0 * (flat @ codebook.T) + c_sq                # (N, K)
    indices = jnp.argmin(dists, axis=1)                            # (N,)
    quantized = jnp.take(codebook, indices, axis=0)                # (N, D)
    # losses: codebook loss + beta * commitment loss
    commit_loss = BETA * jnp.mean((jax.lax.stop_gradient(quantized) - flat) ** 2)
    codebook_loss = jnp.mean((quantized - jax.lax.stop_gradient(flat)) ** 2)
    loss = commit_loss + codebook_loss
    # straight-through estimator
    quant_out = flat + jax.lax.stop_gradient(quantized - flat)
    quant_out = quant_out.reshape(B, T, D)
    # perplexity over codebook usage
    cluster_size = jnp.bincount(indices, length=CODEBOOK_SIZE).astype(jnp.float32)
    probs = cluster_size / jnp.sum(cluster_size)
    entropy = probs * jnp.log(probs + 1e-10)
    perplexity = jnp.exp(-jnp.sum(entropy))
    return quant_out, loss, indices.reshape(B, T), perplexity

if __name__ == "__main__":
    import jax
    _d = setup_inputs()
    print(jax.jit(kernel)(*tuple(_d.values())))

</pallas_src>

<mosaic_0001>
#map = affine_map<(d0, d1) -> (0, 0)>
#map1 = affine_map<(d0, d1) -> (0)>
module attributes {stable_mosaic.version = 14 : i64} {
  func.func @_sc_gather_count_body(%arg0: i32, %arg1: i32, %arg2: memref<512x128xi32, #tpu.memory_space<hbm>>, %arg3: memref<8192x64xf32, #tpu.memory_space<hbm>>, %arg4: memref<8192xf32, #tpu.memory_space<hbm>>, %arg5: memref<65536x64xf32, #tpu.memory_space<hbm>>, %arg6: memref<2x8192xf32, #tpu.memory_space<hbm>>, %arg7: memref<16x128xi32, #tpu.memory_space<vmem>>, %arg8: memref<128x64xf32, #tpu.memory_space<vmem>>, %arg9: memref<128x64xf32, #tpu.memory_space<vmem>>, %arg10: memref<128xf32, #tpu.memory_space<vmem>>, %arg11: memref<8192xf32, #tpu.memory_space<vmem_shared>>, %arg12: memref<!tpu.dma_semaphore, #tpu.memory_space<semaphore_mem>>, %arg13: memref<!tpu.dma_semaphore, #tpu.memory_space<semaphore_mem>>) attributes {dimension_semantics = [#tpu.dimension_semantics<core_parallel>, #tpu.dimension_semantics<subcore_parallel>], iteration_bounds = array<i64: 2, 16>, scalar_prefetch = 0 : i64, scratch_operands = 7 : i64, tpu.core_type = #tpu.core_type<sc_vector_subcore>, window_params = [{transform_indices = #map}, {transform_indices = #map}, {transform_indices = #map1}, {transform_indices = #map}, {transform_indices = #map}]} {
    %mul3A = arith.constant 2 : i32
    %mul3A_0 = arith.muli %arg1, %mul3A : i32
    %add3A = arith.addi %mul3A_0, %arg0 : i32
    %mul3A_1 = arith.constant 16 : i32
    %mul3A_2 = arith.muli %add3A, %mul3A_1 : i32
    %mul3A_3 = arith.constant 2048 : i32
    %mul3A_4 = arith.muli %add3A, %mul3A_3 : i32
    "tpu.region"() ({
      %run_scoped3A_328 = tpu.sem_alloc : memref<!tpu.dma_semaphore, #tpu.memory_space<semaphore_mem>>
      %dma_start3A_329 = arith.constant 0 : i32
      %dma_start3A_330 = tpu.memref_slice %arg2[%mul3A_2, %dma_start3A_329] : memref<512x128xi32, #tpu.memory_space<hbm>> -> memref<16x128xi32, #tpu.memory_space<hbm>>
      %dma_start3A_331 = arith.constant 0 : i32
      %dma_start3A_332 = tpu.memref_slice %arg2[%mul3A_2, %dma_start3A_331] : memref<512x128xi32, #tpu.memory_space<hbm>> -> memref<16x128xi32, #tpu.memory_space<hbm>>
      tpu.enqueue_dma source(%dma_start3A_332 : memref<16x128xi32, #tpu.memory_space<hbm>>) target(%arg7 : memref<16x128xi32, #tpu.memory_space<vmem>>) target_semaphore(%run_scoped3A_328 : memref<!tpu.dma_semaphore, #tpu.memory_space<semaphore_mem>>)
      %dma_wait3A_333 = arith.constant 0 : i32
      %dma_wait3A_334 = tpu.memref_slice %arg2[%mul3A_2, %dma_wait3A_333] : memref<512x128xi32, #tpu.memory_space<hbm>> -> memref<16x128xi32, #tpu.memory_space<hbm>>
      %dma_wait3A_335 = arith.constant 0 : i32
      %dma_wait3A_336 = tpu.memref_slice %arg2[%mul3A_2, %dma_wait3A_335] : memref<512x128xi32, #tpu.memory_space<hbm>> -> memref<16x128xi32, #tpu.memory_space<hbm>>
      tpu.wait_dma2 semaphore(%run_scoped3A_328 : memref<!tpu.dma_semaphore, #tpu.memory_space<semaphore_mem>>) src(%dma_wait3A_336 : memref<16x128xi32, #tpu.memory_space<hbm>>) dst(%arg7 : memref<16x128xi32, #tpu.memory_space<vmem>>)
      tpu.yield
    }) : () -> ()
    %broadcast_in_dim3A = arith.constant 1.000000e+00 : f32
    %broadcast_in_dim3A_5 = vector.broadcast %broadcast_in_dim3A : f32 to vector<16xf32>
    %swap3A = arith.constant 0 : index
    %swap3A_6 = tpu.vector_load %arg10[%swap3A] {strides = array<i32>} : memref<128xf32, #tpu.memory_space<vmem>>, vector<16xf32>,
    %swap3A_7 = vector.shape_cast %swap3A_6 : vector<16xf32> to vector<16xf32>
    %swap3A_8 = vector.shape_cast %broadcast_in_dim3A_5 : vector<16xf32> to vector<16xf32>
    tpu.vector_store %arg10[%swap3A], %swap3A_8 {strides = array<i32>} : memref<128xf32, #tpu.memory_space<vmem>>, vector<16xf32>,
    %broadcast_in_dim3A_9 = arith.constant 1.000000e+00 : f32
    %broadcast_in_dim3A_10 = vector.broadcast %broadcast_in_dim3A_9 : f32 to vector<16xf32>
    %swap3A_11 = arith.constant 16 : index
    %swap3A_12 = tpu.vector_load %arg10[%swap3A_11] {strides = array<i32>} : memref<128xf32, #tpu.memory_space<vmem>>, vector<16xf32>,
    %swap3A_13 = vector.shape_cast %swap3A_12 : vector<16xf32> to vector<16xf32>
    %swap3A_14 = vector.shape_cast %broadcast_in_dim3A_10 : vector<16xf32> to vector<16xf32>
    tpu.vector_store %arg10[%swap3A_11], %swap3A_14 {strides = array<i32>} : memref<128xf32, #tpu.memory_space<vmem>>, vector<16xf32>,
    %broadcast_in_dim3A_15 = arith.constant 1.000000e+00 : f32
    %broadcast_in_dim3A_16 = vector.broadcast %broadcast_in_dim3A_15 : f32 to vector<16xf32>
    %swap3A_17 = arith.constant 32 : index
    %swap3A_18 = tpu.vector_load %arg10[%swap3A_17] {strides = array<i32>} : memref<128xf32, #tpu.memory_space<vmem>>, vector<16xf32>,
    %swap3A_19 = vector.shape_cast %swap3A_18 : vector<16xf32> to vector<16xf32>
    %swap3A_20 = vector.shape_cast %broadcast_in_dim3A_16 : vector<16xf32> to vector<16xf32>
    tpu.vector_store %arg10[%swap3A_17], %swap3A_20 {strides = array<i32>} : memref<128xf32, #tpu.memory_space<vmem>>, vector<16xf32>,
    %broadcast_in_dim3A_21 = arith.constant 1.000000e+00 : f32
    %broadcast_in_dim3A_22 = vector.broadcast %broadcast_in_dim3A_21 : f32 to vector<16xf32>
    %swap3A_23 = arith.constant 48 : index
    %swap3A_24 = tpu.vector_load %arg10[%swap3A_23] {strides = array<i32>} : memref<128xf32, #tpu.memory_space<vmem>>, vector<16xf32>,
    %swap3A_25 = vector.shape_cast %swap3A_24 : vector<16xf32> to vector<16xf32>
    %swap3A_26 = vector.shape_cast %broadcast_in_dim3A_22 : vector<16xf32> to vector<16xf32>
    tpu.vector_store %arg10[%swap3A_23], %swap3A_26 {strides = array<i32>} : memref<128xf32, #tpu.memory_space<vmem>>, vector<16xf32>,
    %broadcast_in_dim3A_27 = arith.constant 1.000000e+00 : f32
    %broadcast_in_dim3A_28 = vector.broadcast %broadcast_in_dim3A_27 : f32 to vector<16xf32>
    %swap3A_29 = arith.constant 64 : index
    %swap3A_30 = tpu.vector_load %arg10[%swap3A_29] {strides = array<i32>} : memref<128xf32, #tpu.memory_space<vmem>>, vector<16xf32>,
    %swap3A_31 = vector.shape_cast %swap3A_30 : vector<16xf32> to vector<16xf32>
    %swap3A_32 = vector.shape_cast %broadcast_in_dim3A_28 : vector<16xf32> to vector<16xf32>
    tpu.vector_store %arg10[%swap3A_29], %swap3A_32 {strides = array<i32>} : memref<128xf32, #tpu.memory_space<vmem>>, vector<16xf32>,
    %broadcast_in_dim3A_33 = arith.constant 1.000000e+00 : f32
    %broadcast_in_dim3A_34 = vector.broadcast %broadcast_in_dim3A_33 : f32 to vector<16xf32>
    %swap3A_35 = arith.constant 80 : index
    %swap3A_36 = tpu.vector_load %arg10[%swap3A_35] {strides = array<i32>} : memref<128xf32, #tpu.memory_space<vmem>>, vector<16xf32>,
    %swap3A_37 = vector.shape_cast %swap3A_36 : vector<16xf32> to vector<16xf32>
    %swap3A_38 = vector.shape_cast %broadcast_in_dim3A_34 : vector<16xf32> to vector<16xf32>
    tpu.vector_store %arg10[%swap3A_35], %swap3A_38 {strides = array<i32>} : memref<128xf32, #tpu.memory_space<vmem>>, vector<16xf32>,
    %broadcast_in_dim3A_39 = arith.constant 1.000000e+00 : f32
    %broadcast_in_dim3A_40 = vector.broadcast %broadcast_in_dim3A_39 : f32 to vector<16xf32>
    %swap3A_41 = arith.constant 96 : index
    %swap3A_42 = tpu.vector_load %arg10[%swap3A_41] {strides = array<i32>} : memref<128xf32, #tpu.memory_space<vmem>>, vector<16xf32>,
    %swap3A_43 = vector.shape_cast %swap3A_42 : vector<16xf32> to vector<16xf32>
    %swap3A_44 = vector.shape_cast %broadcast_in_dim3A_40 : vector<16xf32> to vector<16xf32>
    tpu.vector_store %arg10[%swap3A_41], %swap3A_44 {strides = array<i32>} : memref<128xf32, #tpu.memory_space<vmem>>, vector<16xf32>,
    %broadcast_in_dim3A_45 = arith.constant 1.000000e+00 : f32
    %broadcast_in_dim3A_46 = vector.broadcast %broadcast_in_dim3A_45 : f32 to vector<16xf32>
    %swap3A_47 = arith.constant 112 : index
    %swap3A_48 = tpu.vector_load %arg10[%swap3A_47] {strides = array<i32>} : memref<128xf32, #tpu.memory_space<vmem>>, vector<16xf32>,
    %swap3A_49 = vector.shape_cast %swap3A_48 : vector<16xf32> to vector<16xf32>
    %swap3A_50 = vector.shape_cast %broadcast_in_dim3A_46 : vector<16xf32> to vector<16xf32>
    tpu.vector_store %arg10[%swap3A_47], %swap3A_50 {strides = array<i32>} : memref<128xf32, #tpu.memory_space<vmem>>, vector<16xf32>,
    %eq3A = arith.constant 0 : i32
    %eq3A_51 = arith.cmpi eq, %arg1, %eq3A : i32
    %convert_element_type3A = arith.extui %eq3A_51 : i1 to i32
    %cond3A = arith.constant 0 : i32
    %cond3A_52 = arith.cmpi ne, %convert_element_type3A, %cond3A : i32
    scf.if %cond3A_52 {
      "tpu.region"() ({
        %run_scoped3A_328 = tpu.sem_alloc : memref<!tpu.dma_semaphore, #tpu.memory_space<semaphore_mem>>
        tpu.enqueue_dma source(%arg4 : memref<8192xf32, #tpu.memory_space<hbm>>) target(%arg11 : memref<8192xf32, #tpu.memory_space<vmem_shared>>) target_semaphore(%run_scoped3A_328 : memref<!tpu.dma_semaphore, #tpu.memory_space<semaphore_mem>>)
        tpu.wait_dma2 semaphore(%run_scoped3A_328 : memref<!tpu.dma_semaphore, #tpu.memory_space<semaphore_mem>>) src(%arg4 : memref<8192xf32, #tpu.memory_space<hbm>>) dst(%arg11 : memref<8192xf32, #tpu.memory_space<vmem_shared>>)
        tpu.yield
      }) : () -> ()
    } else {
    }
    %barrier3A = arith.constant 0 : index
    tpu.barrier barrier_id(%barrier3A)
    %dma_start3A = arith.constant 0 : i32
    %dma_start3A_53 = arith.constant 0 : i32
    %dma_start3A_54 = tpu.memref_slice %arg7[%dma_start3A, %dma_start3A_53] : memref<16x128xi32, #tpu.memory_space<vmem>> -> memref<1x128xi32, #tpu.memory_space<vmem>>
    %dma_start3A_55 = tpu.memref_squeeze %dma_start3A_54 : memref<1x128xi32, #tpu.memory_space<vmem>> -> memref<128xi32, #tpu.memory_space<vmem>>
    %dma_start3A_56 = arith.constant 0 : i32
    %dma_start3A_57 = arith.constant 0 : i32
    %dma_start3A_58 = tpu.memref_slice %arg3[%dma_start3A_56, %dma_start3A_57] : memref<8192x64xf32, #tpu.memory_space<hbm>> -> memref<8192x64xf32, #tpu.memory_space<hbm>>
    tpu.enqueue_indirect_dma source(%dma_start3A_58 : memref<8192x64xf32, #tpu.memory_space<hbm>>) target(%arg8 : memref<128x64xf32, #tpu.memory_space<vmem>>) offsets(%dma_start3A_55 : memref<128xi32, #tpu.memory_space<vmem>>) semaphore(%arg12 : memref<!tpu.dma_semaphore, #tpu.memory_space<semaphore_mem>>)
    %dma_start3A_59 = arith.constant 1 : i32
    %dma_start3A_60 = arith.constant 0 : i32
    %dma_start3A_61 = tpu.memref_slice %arg7[%dma_start3A_59, %dma_start3A_60] : memref<16x128xi32, #tpu.memory_space<vmem>> -> memref<1x128xi32, #tpu.memory_space<vmem>>
    %dma_start3A_62 = tpu.memref_squeeze %dma_start3A_61 : memref<1x128xi32, #tpu.memory_space<vmem>> -> memref<128xi32, #tpu.memory_space<vmem>>
    %dma_start3A_63 = arith.constant 0 : i32
    %dma_start3A_64 = arith.constant 0 : i32
    %dma_start3A_65 = tpu.memref_slice %arg3[%dma_start3A_63, %dma_start3A_64] : memref<8192x64xf32, #tpu.memory_space<hbm>> -> memref<8192x64xf32, #tpu.memory_space<hbm>>
    tpu.enqueue_indirect_dma source(%dma_start3A_65 : memref<8192x64xf32, #tpu.memory_space<hbm>>) target(%arg9 : memref<128x64xf32, #tpu.memory_space<vmem>>) offsets(%dma_start3A_62 : memref<128xi32, #tpu.memory_space<vmem>>) semaphore(%arg13 : memref<!tpu.dma_semaphore, #tpu.memory_space<semaphore_mem>>)
    %run_scoped3A = arith.constant 0 : i32
    "tpu.region"() ({
      %run_scoped3A_328 = tpu.sem_alloc : memref<!tpu.dma_semaphore, #tpu.memory_space<semaphore_mem>>
      %dma_start3A_329 = arith.constant 0 : i32
      %dma_start3A_330 = tpu.memref_slice %arg7[%run_scoped3A, %dma_start3A_329] : memref<16x128xi32, #tpu.memory_space<vmem>> -> memref<1x128xi32, #tpu.memory_space<vmem>>
      %dma_start3A_331 = tpu.memref_squeeze %dma_start3A_330 : memref<1x128xi32, #tpu.memory_space<vmem>> -> memref<128xi32, #tpu.memory_space<vmem>>
      %dma_start3A_332 = arith.constant 0 : i32
      %dma_start3A_333 = tpu.memref_slice %arg11[%dma_start3A_332] : memref<8192xf32, #tpu.memory_space<vmem_shared>> -> memref<8192xf32, #tpu.memory_space<vmem_shared>>
      tpu.enqueue_indirect_dma source(%arg10 : memref<128xf32, #tpu.memory_space<vmem>>) target(%dma_start3A_333 : memref<8192xf32, #tpu.memory_space<vmem_shared>>) offsets(%dma_start3A_331 : memref<128xi32, #tpu.memory_space<vmem>>) semaphore(%run_scoped3A_328 : memref<!tpu.dma_semaphore, #tpu.memory_space<semaphore_mem>>) {add = true}
      %dma_wait3A_334 = arith.constant 0 : i32
      %dma_wait3A_335 = tpu.memref_slice %arg7[%run_scoped3A, %dma_wait3A_334] : memref<16x128xi32, #tpu.memory_space<vmem>> -> memref<1x128xi32, #tpu.memory_space<vmem>>
      %dma_wait3A_336 = tpu.memref_squeeze %dma_wait3A_335 : memref<1x128xi32, #tpu.memory_space<vmem>> -> memref<128xi32, #tpu.memory_space<vmem>>
      %dma_wait3A_337 = arith.constant 0 : i32
      %dma_wait3A_338 = tpu.memref_slice %arg11[%dma_wait3A_337] : memref<8192xf32, #tpu.memory_space<vmem_shared>> -> memref<8192xf32, #tpu.memory_space<vmem_shared>>
      tpu.wait_indirect_dma semaphore(%run_scoped3A_328 : memref<!tpu.dma_semaphore, #tpu.memory_space<semaphore_mem>>) src(%arg10 : memref<128xf32, #tpu.memory_space<vmem>>) dst(%dma_wait3A_338 : memref<8192xf32, #tpu.memory_space<vmem_shared>>)
      tpu.yield
    }) : () -> ()
    %dma_wait3A = arith.constant 0 : i32
    %dma_wait3A_66 = arith.constant 0 : i32
    %dma_wait3A_67 = tpu.memref_slice %arg7[%dma_wait3A, %dma_wait3A_66] : memref<16x128xi32, #tpu.memory_space<vmem>> -> memref<1x128xi32, #tpu.memory_space<vmem>>
    %dma_wait3A_68 = tpu.memref_squeeze %dma_wait3A_67 : memref<1x128xi32, #tpu.memory_space<vmem>> -> memref<128xi32, #tpu.memory_space<vmem>>
    %dma_wait3A_69 = arith.constant 0 : i32
    %dma_wait3A_70 = arith.constant 0 : i32
    %dma_wait3A_71 = tpu.memref_slice %arg3[%dma_wait3A_69, %dma_wait3A_70] : memref<8192x64xf32, #tpu.memory_space<hbm>> -> memref<8192x64xf32, #tpu.memory_space<hbm>>
    tpu.wait_indirect_dma semaphore(%arg12 : memref<!tpu.dma_semaphore, #tpu.memory_space<semaphore_mem>>) src(%dma_wait3A_71 : memref<8192x64xf32, #tpu.memory_space<hbm>>) dst(%arg8 : memref<128x64xf32, #tpu.memory_space<vmem>>)
    %add3A_72 = arith.constant 0 : i32
    %add3A_73 = arith.addi %mul3A_4, %add3A_72 : i32
    "tpu.region"() ({
      %run_scoped3A_328 = tpu.sem_alloc : memref<!tpu.dma_semaphore, #tpu.memory_space<semaphore_mem>>
      %dma_start3A_329 = arith.constant 0 : i32
      %dma_start3A_330 = tpu.memref_slice %arg5[%add3A_73, %dma_start3A_329] : memref<65536x64xf32, #tpu.memory_space<hbm>> -> memref<128x64xf32, #tpu.memory_space<hbm>>
      %dma_start3A_331 = arith.constant 0 : i32
      %dma_start3A_332 = tpu.memref_slice %arg5[%add3A_73, %dma_start3A_331] : memref<65536x64xf32, #tpu.memory_space<hbm>> -> memref<128x64xf32, #tpu.memory_space<hbm>>
      tpu.enqueue_dma source(%arg8 : memref<128x64xf32, #tpu.memory_space<vmem>>) target(%dma_start3A_332 : memref<128x64xf32, #tpu.memory_space<hbm>>) target_semaphore(%run_scoped3A_328 : memref<!tpu.dma_semaphore, #tpu.memory_space<semaphore_mem>>)
      %dma_wait3A_333 = arith.constant 0 : i32
      %dma_wait3A_334 = tpu.memref_slice %arg5[%add3A_73, %dma_wait3A_333] : memref<65536x64xf32, #tpu.memory_space<hbm>> -> memref<128x64xf32, #tpu.memory_space<hbm>>
      %dma_wait3A_335 = arith.constant 0 : i32
      %dma_wait3A_336 = tpu.memref_slice %arg5[%add3A_73, %dma_wait3A_335] : memref<65536x64xf32, #tpu.memory_space<hbm>> -> memref<128x64xf32, #tpu.memory_space<hbm>>
      tpu.wait_dma2 semaphore(%run_scoped3A_328 : memref<!tpu.dma_semaphore, #tpu.memory_space<semaphore_mem>>) src(%arg8 : memref<128x64xf32, #tpu.memory_space<vmem>>) dst(%dma_wait3A_336 : memref<128x64xf32, #tpu.memory_space<hbm>>)
      tpu.yield
    }) : () -> ()
    %dma_start3A_74 = arith.constant 2 : i32
    %dma_start3A_75 = arith.constant 0 : i32
    %dma_start3A_76 = tpu.memref_slice %arg7[%dma_start3A_74, %dma_start3A_75] : memref<16x128xi32, #tpu.memory_space<vmem>> -> memref<1x128xi32, #tpu.memory_space<vmem>>
    %dma_start3A_77 = tpu.memref_squeeze %dma_start3A_76 : memref<1x128xi32, #tpu.memory_space<vmem>> -> memref<128xi32, #tpu.memory_space<vmem>>
    %dma_start3A_78 = arith.constant 0 : i32
    %dma_start3A_79 = arith.constant 0 : i32
    %dma_start3A_80 = tpu.memref_slice %arg3[%dma_start3A_78, %dma_start3A_79] : memref<8192x64xf32, #tpu.memory_space<hbm>> -> memref<8192x64xf32, #tpu.memory_space<hbm>>
    tpu.enqueue_indirect_dma source(%dma_start3A_80 : memref<8192x64xf32, #tpu.memory_space<hbm>>) target(%arg8 : memref<128x64xf32, #tpu.memory_space<vmem>>) offsets(%dma_start3A_77 : memref<128xi32, #tpu.memory_space<vmem>>) semaphore(%arg12 : memref<!tpu.dma_semaphore, #tpu.memory_space<semaphore_mem>>)
    %run_scoped3A_81 = arith.constant 1 : i32
    "tpu.region"() ({
      %run_scoped3A_328 = tpu.sem_alloc : memref<!tpu.dma_semaphore, #tpu.memory_space<semaphore_mem>>
      %dma_start3A_329 = arith.constant 0 : i32
      %dma_start3A_330 = tpu.memref_slice %arg7[%run_scoped3A_81, %dma_start3A_329] : memref<16x128xi32, #tpu.memory_space<vmem>> -> memref<1x128xi32, #tpu.memory_space<vmem>>
      %dma_start3A_331 = tpu.memref_squeeze %dma_start3A_330 : memref<1x128xi32, #tpu.memory_space<vmem>> -> memref<128xi32, #tpu.memory_space<vmem>>
      %dma_start3A_332 = arith.constant 0 : i32
      %dma_start3A_333 = tpu.memref_slice %arg11[%dma_start3A_332] : memref<8192xf32, #tpu.memory_space<vmem_shared>> -> memref<8192xf32, #tpu.memory_space<vmem_shared>>
      tpu.enqueue_indirect_dma source(%arg10 : memref<128xf32, #tpu.memory_space<vmem>>) target(%dma_start3A_333 : memref<8192xf32, #tpu.memory_space<vmem_shared>>) offsets(%dma_start3A_331 : memref<128xi32, #tpu.memory_space<vmem>>) semaphore(%run_scoped3A_328 : memref<!tpu.dma_semaphore, #tpu.memory_space<semaphore_mem>>) {add = true}
      %dma_wait3A_334 = arith.constant 0 : i32
      %dma_wait3A_335 = tpu.memref_slice %arg7[%run_scoped3A_81, %dma_wait3A_334] : memref<16x128xi32, #tpu.memory_space<vmem>> -> memref<1x128xi32, #tpu.memory_space<vmem>>
      %dma_wait3A_336 = tpu.memref_squeeze %dma_wait3A_335 : memref<1x128xi32, #tpu.memory_space<vmem>> -> memref<128xi32, #tpu.memory_space<vmem>>
      %dma_wait3A_337 = arith.constant 0 : i32
      %dma_wait3A_338 = tpu.memref_slice %arg11[%dma_wait3A_337] : memref<8192xf32, #tpu.memory_space<vmem_shared>> -> memref<8192xf32, #tpu.memory_space<vmem_shared>>
      tpu.wait_indirect_dma semaphore(%run_scoped3A_328 : memref<!tpu.dma_semaphore, #tpu.memory_space<semaphore_mem>>) src(%arg10 : memref<128xf32, #tpu.memory_space<vmem>>) dst(%dma_wait3A_338 : memref<8192xf32, #tpu.memory_space<vmem_shared>>)
      tpu.yield
    }) : () -> ()
    %dma_wait3A_82 = arith.constant 1 : i32
    %dma_wait3A_83 = arith.constant 0 : i32
    %dma_wait3A_84 = tpu.memref_slice %arg7[%dma_wait3A_82, %dma_wait3A_83] : memref<16x128xi32, #tpu.memory_space<vmem>> -> memref<1x128xi32, #tpu.memory_space<vmem>>
    %dma_wait3A_85 = tpu.memref_squeeze %dma_wait3A_84 : memref<1x128xi32, #tpu.memory_space<vmem>> -> memref<128xi32, #tpu.memory_space<vmem>>
    %dma_wait3A_86 = arith.constant 0 : i32
    %dma_wait3A_87 = arith.constant 0 : i32
    %dma_wait3A_88 = tpu.memref_slice %arg3[%dma_wait3A_86, %dma_wait3A_87] : memref<8192x64xf32, #tpu.memory_space<hbm>> -> memref<8192x64xf32, #tpu.memory_space<hbm>>
    tpu.wait_indirect_dma semaphore(%arg13 : memref<!tpu.dma_semaphore, #tpu.memory_space<semaphore_mem>>) src(%dma_wait3A_88 : memref<8192x64xf32, #tpu.memory_space<hbm>>) dst(%arg9 : memref<128x64xf32, #tpu.memory_space<vmem>>)
    %add3A_89 = arith.constant 128 : i32
    %add3A_90 = arith.addi %mul3A_4, %add3A_89 : i32
    "tpu.region"() ({
      %run_scoped3A_328 = tpu.sem_alloc : memref<!tpu.dma_semaphore, #tpu.memory_space<semaphore_mem>>
      %dma_start3A_329 = arith.constant 0 : i32
      %dma_start3A_330 = tpu.memref_slice %arg5[%add3A_90, %dma_start3A_329] : memref<65536x64xf32, #tpu.memory_space<hbm>> -> memref<128x64xf32, #tpu.memory_space<hbm>>
      %dma_start3A_331 = arith.constant 0 : i32
      %dma_start3A_332 = tpu.memref_slice %arg5[%add3A_90, %dma_start3A_331] : memref<65536x64xf32, #tpu.memory_space<hbm>> -> memref<128x64xf32, #tpu.memory_space<hbm>>
      tpu.enqueue_dma source(%arg9 : memref<128x64xf32, #tpu.memory_space<vmem>>) target(%dma_start3A_332 : memref<128x64xf32, #tpu.memory_space<hbm>>) target_semaphore(%run_scoped3A_328 : memref<!tpu.dma_semaphore, #tpu.memory_space<semaphore_mem>>)
      %dma_wait3A_333 = arith.constant 0 : i32
      %dma_wait3A_334 = tpu.memref_slice %arg5[%add3A_90, %dma_wait3A_333] : memref<65536x64xf32, #tpu.memory_space<hbm>> -> memref<128x64xf32, #tpu.memory_space<hbm>>
      %dma_wait3A_335 = arith.constant 0 : i32
      %dma_wait3A_336 = tpu.memref_slice %arg5[%add3A_90, %dma_wait3A_335] : memref<65536x64xf32, #tpu.memory_space<hbm>> -> memref<128x64xf32, #tpu.memory_space<hbm>>
      tpu.wait_dma2 semaphore(%run_scoped3A_328 : memref<!tpu.dma_semaphore, #tpu.memory_space<semaphore_mem>>) src(%arg9 : memref<128x64xf32, #tpu.memory_space<vmem>>) dst(%dma_wait3A_336 : memref<128x64xf32, #tpu.memory_space<hbm>>)
      tpu.yield
    }) : () -> ()
    %dma_start3A_91 = arith.constant 3 : i32
    %dma_start3A_92 = arith.constant 0 : i32
    %dma_start3A_93 = tpu.memref_slice %arg7[%dma_start3A_91, %dma_start3A_92] : memref<16x128xi32, #tpu.memory_space<vmem>> -> memref<1x128xi32, #tpu.memory_space<vmem>>
    %dma_start3A_94 = tpu.memref_squeeze %dma_start3A_93 : memref<1x128xi32, #tpu.memory_space<vmem>> -> memref<128xi32, #tpu.memory_space<vmem>>
    %dma_start3A_95 = arith.constant 0 : i32
    %dma_start3A_96 = arith.constant 0 : i32
    %dma_start3A_97 = tpu.memref_slice %arg3[%dma_start3A_95, %dma_start3A_96] : memref<8192x64xf32, #tpu.memory_space<hbm>> -> memref<8192x64xf32, #tpu.memory_space<hbm>>
    tpu.enqueue_indirect_dma source(%dma_start3A_97 : memref<8192x64xf32, #tpu.memory_space<hbm>>) target(%arg9 : memref<128x64xf32, #tpu.memory_space<vmem>>) offsets(%dma_start3A_94 : memref<128xi32, #tpu.memory_space<vmem>>) semaphore(%arg13 : memref<!tpu.dma_semaphore, #tpu.memory_space<semaphore_mem>>)
    %run_scoped3A_98 = arith.constant 2 : i32
    "tpu.region"() ({
      %run_scoped3A_328 = tpu.sem_alloc : memref<!tpu.dma_semaphore, #tpu.memory_space<semaphore_mem>>
      %dma_start3A_329 = arith.constant 0 : i32
      %dma_start3A_330 = tpu.memref_slice %arg7[%run_scoped3A_98, %dma_start3A_329] : memref<16x128xi32, #tpu.memory_space<vmem>> -> memref<1x128xi32, #tpu.memory_space<vmem>>
      %dma_start3A_331 = tpu.memref_squeeze %dma_start3A_330 : memref<1x128xi32, #tpu.memory_space<vmem>> -> memref<128xi32, #tpu.memory_space<vmem>>
      %dma_start3A_332 = arith.constant 0 : i32
      %dma_start3A_333 = tpu.memref_slice %arg11[%dma_start3A_332] : memref<8192xf32, #tpu.memory_space<vmem_shared>> -> memref<8192xf32, #tpu.memory_space<vmem_shared>>
      tpu.enqueue_indirect_dma source(%arg10 : memref<128xf32, #tpu.memory_space<vmem>>) target(%dma_start3A_333 : memref<8192xf32, #tpu.memory_space<vmem_shared>>) offsets(%dma_start3A_331 : memref<128xi32, #tpu.memory_space<vmem>>) semaphore(%run_scoped3A_328 : memref<!tpu.dma_semaphore, #tpu.memory_space<semaphore_mem>>) {add = true}
      %dma_wait3A_334 = arith.constant 0 : i32
      %dma_wait3A_335 = tpu.memref_slice %arg7[%run_scoped3A_98, %dma_wait3A_334] : memref<16x128xi32, #tpu.memory_space<vmem>> -> memref<1x128xi32, #tpu.memory_space<vmem>>
      %dma_wait3A_336 = tpu.memref_squeeze %dma_wait3A_335 : memref<1x128xi32, #tpu.memory_space<vmem>> -> memref<128xi32, #tpu.memory_space<vmem>>
      %dma_wait3A_337 = arith.constant 0 : i32
      %dma_wait3A_338 = tpu.memref_slice %arg11[%dma_wait3A_337] : memref<8192xf32, #tpu.memory_space<vmem_shared>> -> memref<8192xf32, #tpu.memory_space<vmem_shared>>
      tpu.wait_indirect_dma semaphore(%run_scoped3A_328 : memref<!tpu.dma_semaphore, #tpu.memory_space<semaphore_mem>>) src(%arg10 : memref<128xf32, #tpu.memory_space<vmem>>) dst(%dma_wait3A_338 : memref<8192xf32, #tpu.memory_space<vmem_shared>>)
      tpu.yield
    }) : () -> ()
    %dma_wait3A_99 = arith.constant 2 : i32
    %dma_wait3A_100 = arith.constant 0 : i32
    %dma_wait3A_101 = tpu.memref_slice %arg7[%dma_wait3A_99, %dma_wait3A_100] : memref<16x128xi32, #tpu.memory_space<vmem>> -> memref<1x128xi32, #tpu.memory_space<vmem>>
    %dma_wait3A_102 = tpu.memref_squeeze %dma_wait3A_101 : memref<1x128xi32, #tpu.memory_space<vmem>> -> memref<128xi32, #tpu.memory_space<vmem>>
    %dma_wait3A_103 = arith.constant 0 : i32
    %dma_wait3A_104 = arith.constant 0 : i32
    %dma_wait3A_105 = tpu.memref_slice %arg3[%dma_wait3A_103, %dma_wait3A_104] : memref<8192x64xf32, #tpu.memory_space<hbm>> -> memref<8192x64xf32, #tpu.memory_space<hbm>>
    tpu.wait_indirect_dma semaphore(%arg12 : memref<!tpu.dma_semaphore, #tpu.memory_space<semaphore_mem>>) src(%dma_wait3A_105 : memref<8192x64xf32, #tpu.memory_space<hbm>>) dst(%arg8 : memref<128x64xf32, #tpu.memory_space<vmem>>)
    %add3A_106 = arith.constant 256 : i32
    %add3A_107 = arith.addi %mul3A_4, %add3A_106 : i32
    "tpu.region"() ({
      %run_scoped3A_328 = tpu.sem_alloc : memref<!tpu.dma_semaphore, #tpu.memory_space<semaphore_mem>>
      %dma_start3A_329 = arith.constant 0 : i32
      %dma_start3A_330 = tpu.memref_slice %arg5[%add3A_107, %dma_start3A_329] : memref<65536x64xf32, #tpu.memory_space<hbm>> -> memref<128x64xf32, #tpu.memory_space<hbm>>
      %dma_start3A_331 = arith.constant 0 : i32
      %dma_start3A_332 = tpu.memref_slice %arg5[%add3A_107, %dma_start3A_331] : memref<65536x64xf32, #tpu.memory_space<hbm>> -> memref<128x64xf32, #tpu.memory_space<hbm>>
      tpu.enqueue_dma source(%arg8 : memref<128x64xf32, #tpu.memory_space<vmem>>) target(%dma_start3A_332 : memref<128x64xf32, #tpu.memory_space<hbm>>) target_semaphore(%run_scoped3A_328 : memref<!tpu.dma_semaphore, #tpu.memory_space<semaphore_mem>>)
      %dma_wait3A_333 = arith.constant 0 : i32
      %dma_wait3A_334 = tpu.memref_slice %arg5[%add3A_107, %dma_wait3A_333] : memref<65536x64xf32, #tpu.memory_space<hbm>> -> memref<128x64xf32, #tpu.memory_space<hbm>>
      %dma_wait3A_335 = arith.constant 0 : i32
      %dma_wait3A_336 = tpu.memref_slice %arg5[%add3A_107, %dma_wait3A_335] : memref<65536x64xf32, #tpu.memory_space<hbm>> -> memref<128x64xf32, #tpu.memory_space<hbm>>
      tpu.wait_dma2 semaphore(%run_scoped3A_328 : memref<!tpu.dma_semaphore, #tpu.memory_space<semaphore_mem>>) src(%arg8 : memref<128x64xf32, #tpu.memory_space<vmem>>) dst(%dma_wait3A_336 : memref<128x64xf32, #tpu.memory_space<hbm>>)
      tpu.yield
    }) : () -> ()
    %dma_start3A_108 = arith.constant 4 : i32
    %dma_start3A_109 = arith.constant 0 : i32
    %dma_start3A_110 = tpu.memref_slice %arg7[%dma_start3A_108, %dma_start3A_109] : memref<16x128xi32, #tpu.memory_space<vmem>> -> memref<1x128xi32, #tpu.memory_space<vmem>>
    %dma_start3A_111 = tpu.memref_squeeze %dma_start3A_110 : memref<1x128xi32, #tpu.memory_space<vmem>> -> memref<128xi32, #tpu.memory_space<vmem>>
    %dma_start3A_112 = arith.constant 0 : i32
    %dma_start3A_113 = arith.constant 0 : i32
    %dma_start3A_114 = tpu.memref_slice %arg3[%dma_start3A_112, %dma_start3A_113] : memref<8192x64xf32, #tpu.memory_space<hbm>> -> memref<8192x64xf32, #tpu.memory_space<hbm>>
    tpu.enqueue_indirect_dma source(%dma_start3A_114 : memref<8192x64xf32, #tpu.memory_space<hbm>>) target(%arg8 : memref<128x64xf32, #tpu.memory_space<vmem>>) offsets(%dma_start3A_111 : memref<128xi32, #tpu.memory_space<vmem>>) semaphore(%arg12 : memref<!tpu.dma_semaphore, #tpu.memory_space<semaphore_mem>>)
    %run_scoped3A_115 = arith.constant 3 : i32
    "tpu.region"() ({
      %run_scoped3A_328 = tpu.sem_alloc : memref<!tpu.dma_semaphore, #tpu.memory_space<semaphore_mem>>
      %dma_start3A_329 = arith.constant 0 : i32
      %dma_start3A_330 = tpu.memref_slice %arg7[%run_scoped3A_115, %dma_start3A_329] : memref<16x128xi32, #tpu.memory_space<vmem>> -> memref<1x128xi32, #tpu.memory_space<vmem>>
      %dma_start3A_331 = tpu.memref_squeeze %dma_start3A_330 : memref<1x128xi32, #tpu.memory_space<vmem>> -> memref<128xi32, #tpu.memory_space<vmem>>
      %dma_start3A_332 = arith.constant 0 : i32
      %dma_start3A_333 = tpu.memref_slice %arg11[%dma_start3A_332] : memref<8192xf32, #tpu.memory_space<vmem_shared>> -> memref<8192xf32, #tpu.memory_space<vmem_shared>>
      tpu.enqueue_indirect_dma source(%arg10 : memref<128xf32, #tpu.memory_space<vmem>>) target(%dma_start3A_333 : memref<8192xf32, #tpu.memory_space<vmem_shared>>) offsets(%dma_start3A_331 : memref<128xi32, #tpu.memory_space<vmem>>) semaphore(%run_scoped3A_328 : memref<!tpu.dma_semaphore, #tpu.memory_space<semaphore_mem>>) {add = true}
      %dma_wait3A_334 = arith.constant 0 : i32
      %dma_wait3A_335 = tpu.memref_slice %arg7[%run_scoped3A_115, %dma_wait3A_334] : memref<16x128xi32, #tpu.memory_space<vmem>> -> memref<1x128xi32, #tpu.memory_space<vmem>>
      %dma_wait3A_336 = tpu.memref_squeeze %dma_wait3A_335 : memref<1x128xi32, #tpu.memory_space<vmem>> -> memref<128xi32, #tpu.memory_space<vmem>>
      %dma_wait3A_337 = arith.constant 0 : i32
      %dma_wait3A_338 = tpu.memref_slice %arg11[%dma_wait3A_337] : memref<8192xf32, #tpu.memory_space<vmem_shared>> -> memref<8192xf32, #tpu.memory_space<vmem_shared>>
      tpu.wait_indirect_dma semaphore(%run_scoped3A_328 : memref<!tpu.dma_semaphore, #tpu.memory_space<semaphore_mem>>) src(%arg10 : memref<128xf32, #tpu.memory_space<vmem>>) dst(%dma_wait3A_338 : memref<8192xf32, #tpu.memory_space<vmem_shared>>)
      tpu.yield
    }) : () -> ()
    %dma_wait3A_116 = arith.constant 3 : i32
    %dma_wait3A_117 = arith.constant 0 : i32
    %dma_wait3A_118 = tpu.memref_slice %arg7[%dma_wait3A_116, %dma_wait3A_117] : memref<16x128xi32, #tpu.memory_space<vmem>> -> memref<1x128xi32, #tpu.memory_space<vmem>>
    %dma_wait3A_119 = tpu.memref_squeeze %dma_wait3A_118 : memref<1x128xi32, #tpu.memory_space<vmem>> -> memref<128xi32, #tpu.memory_space<vmem>>
    %dma_wait3A_120 = arith.constant 0 : i32
    %dma_wait3A_121 = arith.constant 0 : i32
    %dma_wait3A_122 = tpu.memref_slice %arg3[%dma_wait3A_120, %dma_wait3A_121] : memref<8192x64xf32, #tpu.memory_space<hbm>> -> memref<8192x64xf32, #tpu.memory_space<hbm>>
    tpu.wait_indirect_dma semaphore(%arg13 : memref<!tpu.dma_semaphore, #tpu.memory_space<semaphore_mem>>) src(%dma_wait3A_122 : memref<8192x64xf32, #tpu.memory_space<hbm>>) dst(%arg9 : memref<128x64xf32, #tpu.memory_space<vmem>>)
    %add3A_123 = arith.constant 384 : i32
    %add3A_124 = arith.addi %mul3A_4, %add3A_123 : i32
    "tpu.region"() ({
      %run_scoped3A_328 = tpu.sem_alloc : memref<!tpu.dma_semaphore, #tpu.memory_space<semaphore_mem>>
      %dma_start3A_329 = arith.constant 0 : i32
      %dma_start3A_330 = tpu.memref_slice %arg5[%add3A_124, %dma_start3A_329] : memref<65536x64xf32, #tpu.memory_space<hbm>> -> memref<128x64xf32, #tpu.memory_space<hbm>>
      %dma_start3A_331 = arith.constant 0 : i32
      %dma_start3A_332 = tpu.memref_slice %arg5[%add3A_124, %dma_start3A_331] : memref<65536x64xf32, #tpu.memory_space<hbm>> -> memref<128x64xf32, #tpu.memory_space<hbm>>
      tpu.enqueue_dma source(%arg9 : memref<128x64xf32, #tpu.memory_space<vmem>>) target(%dma_start3A_332 : memref<128x64xf32, #tpu.memory_space<hbm>>) target_semaphore(%run_scoped3A_328 : memref<!tpu.dma_semaphore, #tpu.memory_space<semaphore_mem>>)
      %dma_wait3A_333 = arith.constant 0 : i32
      %dma_wait3A_334 = tpu.memref_slice %arg5[%add3A_124, %dma_wait3A_333] : memref<65536x64xf32, #tpu.memory_space<hbm>> -> memref<128x64xf32, #tpu.memory_space<hbm>>
      %dma_wait3A_335 = arith.constant 0 : i32
      %dma_wait3A_336 = tpu.memref_slice %arg5[%add3A_124, %dma_wait3A_335] : memref<65536x64xf32, #tpu.memory_space<hbm>> -> memref<128x64xf32, #tpu.memory_space<hbm>>
      tpu.wait_dma2 semaphore(%run_scoped3A_328 : memref<!tpu.dma_semaphore, #tpu.memory_space<semaphore_mem>>) src(%arg9 : memref<128x64xf32, #tpu.memory_space<vmem>>) dst(%dma_wait3A_336 : memref<128x64xf32, #tpu.memory_space<hbm>>)
      tpu.yield
    }) : () -> ()
    %dma_start3A_125 = arith.constant 5 : i32
    %dma_start3A_126 = arith.constant 0 : i32
    %dma_start3A_127 = tpu.memref_slice %arg7[%dma_start3A_125, %dma_start3A_126] : memref<16x128xi32, #tpu.memory_space<vmem>> -> memref<1x128xi32, #tpu.memory_space<vmem>>
    %dma_start3A_128 = tpu.memref_squeeze %dma_start3A_127 : memref<1x128xi32, #tpu.memory_space<vmem>> -> memref<128xi32, #tpu.memory_space<vmem>>
    %dma_start3A_129 = arith.constant 0 : i32
    %dma_start3A_130 = arith.constant 0 : i32
    %dma_start3A_131 = tpu.memref_slice %arg3[%dma_start3A_129, %dma_start3A_130] : memref<8192x64xf32, #tpu.memory_space<hbm>> -> memref<8192x64xf32, #tpu.memory_space<hbm>>
    tpu.enqueue_indirect_dma source(%dma_start3A_131 : memref<8192x64xf32, #tpu.memory_space<hbm>>) target(%arg9 : memref<128x64xf32, #tpu.memory_space<vmem>>) offsets(%dma_start3A_128 : memref<128xi32, #tpu.memory_space<vmem>>) semaphore(%arg13 : memref<!tpu.dma_semaphore, #tpu.memory_space<semaphore_mem>>)
    %run_scoped3A_132 = arith.constant 4 : i32
    "tpu.region"() ({
      %run_scoped3A_328 = tpu.sem_alloc : memref<!tpu.dma_semaphore, #tpu.memory_space<semaphore_mem>>
      %dma_start3A_329 = arith.constant 0 : i32
      %dma_start3A_330 = tpu.memref_slice %arg7[%run_scoped3A_132, %dma_start3A_329] : memref<16x128xi32, #tpu.memory_space<vmem>> -> memref<1x128xi32, #tpu.memory_space<vmem>>
      %dma_start3A_331 = tpu.memref_squeeze %dma_start3A_330 : memref<1x128xi32, #tpu.memory_space<vmem>> -> memref<128xi32, #tpu.memory_space<vmem>>
      %dma_start3A_332 = arith.constant 0 : i32
      %dma_start3A_333 = tpu.memref_slice %arg11[%dma_start3A_332] : memref<8192xf32, #tpu.memory_space<vmem_shared>> -> memref<8192xf32, #tpu.memory_space<vmem_shared>>
      tpu.enqueue_indirect_dma source(%arg10 : memref<128xf32, #tpu.memory_space<vmem>>) target(%dma_start3A_333 : memref<8192xf32, #tpu.memory_space<vmem_shared>>) offsets(%dma_start3A_331 : memref<128xi32, #tpu.memory_space<vmem>>) semaphore(%run_scoped3A_328 : memref<!tpu.dma_semaphore, #tpu.memory_space<semaphore_mem>>) {add = true}
      %dma_wait3A_334 = arith.constant 0 : i32
      %dma_wait3A_335 = tpu.memref_slice %arg7[%run_scoped3A_132, %dma_wait3A_334] : memref<16x128xi32, #tpu.memory_space<vmem>> -> memref<1x128xi32, #tpu.memory_space<vmem>>
      %dma_wait3A_336 = tpu.memref_squeeze %dma_wait3A_335 : memref<1x128xi32, #tpu.memory_space<vmem>> -> memref<128xi32, #tpu.memory_space<vmem>>
      %dma_wait3A_337 = arith.constant 0 : i32
      %dma_wait3A_338 = tpu.memref_slice %arg11[%dma_wait3A_337] : memref<8192xf32, #tpu.memory_space<vmem_shared>> -> memref<8192xf32, #tpu.memory_space<vmem_shared>>
      tpu.wait_indirect_dma semaphore(%run_scoped3A_328 : memref<!tpu.dma_semaphore, #tpu.memory_space<semaphore_mem>>) src(%arg10 : memref<128xf32, #tpu.memory_space<vmem>>) dst(%dma_wait3A_338 : memref<8192xf32, #tpu.memory_space<vmem_shared>>)
      tpu.yield
    }) : () -> ()
    %dma_wait3A_133 = arith.constant 4 : i32
    %dma_wait3A_134 = arith.constant 0 : i32
    %dma_wait3A_135 = tpu.memref_slice %arg7[%dma_wait3A_133, %dma_wait3A_134] : memref<16x128xi32, #tpu.memory_space<vmem>> -> memref<1x128xi32, #tpu.memory_space<vmem>>
    %dma_wait3A_136 = tpu.memref_squeeze %dma_wait3A_135 : memref<1x128xi32, #tpu.memory_space<vmem>> -> memref<128xi32, #tpu.memory_space<vmem>>
    %dma_wait3A_137 = arith.constant 0 : i32
    %dma_wait3A_138 = arith.constant 0 : i32
    %dma_wait3A_139 = tpu.memref_slice %arg3[%dma_wait3A_137, %dma_wait3A_138] : memref<8192x64xf32, #tpu.memory_space<hbm>> -> memref<8192x64xf32, #tpu.memory_space<hbm>>
    tpu.wait_indirect_dma semaphore(%arg12 : memref<!tpu.dma_semaphore, #tpu.memory_space<semaphore_mem>>) src(%dma_wait3A_139 : memref<8192x64xf32, #tpu.memory_space<hbm>>) dst(%arg8 : memref<128x64xf32, #tpu.memory_space<vmem>>)
    %add3A_140 = arith.constant 512 : i32
    %add3A_141 = arith.addi %mul3A_4, %add3A_140 : i32
    "tpu.region"() ({
      %run_scoped3A_328 = tpu.sem_alloc : memref<!tpu.dma_semaphore, #tpu.memory_space<semaphore_mem>>
      %dma_start3A_329 = arith.constant 0 : i32
      %dma_start3A_330 = tpu.memref_slice %arg5[%add3A_141, %dma_start3A_329] : memref<65536x64xf32, #tpu.memory_space<hbm>> -> memref<128x64xf32, #tpu.memory_space<hbm>>
      %dma_start3A_331 = arith.constant 0 : i32
      %dma_start3A_332 = tpu.memref_slice %arg5[%add3A_141, %dma_start3A_331] : memref<65536x64xf32, #tpu.memory_space<hbm>> -> memref<128x64xf32, #tpu.memory_space<hbm>>
      tpu.enqueue_dma source(%arg8 : memref<128x64xf32, #tpu.memory_space<vmem>>) target(%dma_start3A_332 : memref<128x64xf32, #tpu.memory_space<hbm>>) target_semaphore(%run_scoped3A_328 : memref<!tpu.dma_semaphore, #tpu.memory_space<semaphore_mem>>)
      %dma_wait3A_333 = arith.constant 0 : i32
      %dma_wait3A_334 = tpu.memref_slice %arg5[%add3A_141, %dma_wait3A_333] : memref<65536x64xf32, #tpu.memory_space<hbm>> -> memref<128x64xf32, #tpu.memory_space<hbm>>
      %dma_wait3A_335 = arith.constant 0 : i32
      %dma_wait3A_336 = tpu.memref_slice %arg5[%add3A_141, %dma_wait3A_335] : memref<65536x64xf32, #tpu.memory_space<hbm>> -> memref<128x64xf32, #tpu.memory_space<hbm>>
      tpu.wait_dma2 semaphore(%run_scoped3A_328 : memref<!tpu.dma_semaphore, #tpu.memory_space<semaphore_mem>>) src(%arg8 : memref<128x64xf32, #tpu.memory_space<vmem>>) dst(%dma_wait3A_336 : memref<128x64xf32, #tpu.memory_space<hbm>>)
      tpu.yield
    }) : () -> ()
    %dma_start3A_142 = arith.constant 6 : i32
    %dma_start3A_143 = arith.constant 0 : i32
    %dma_start3A_144 = tpu.memref_slice %arg7[%dma_start3A_142, %dma_start3A_143] : memref<16x128xi32, #tpu.memory_space<vmem>> -> memref<1x128xi32, #tpu.memory_space<vmem>>
    %dma_start3A_145 = tpu.memref_squeeze %dma_start3A_144 : memref<1x128xi32, #tpu.memory_space<vmem>> -> memref<128xi32, #tpu.memory_space<vmem>>
    %dma_start3A_146 = arith.constant 0 : i32
    %dma_start3A_147 = arith.constant 0 : i32
    %dma_start3A_148 = tpu.memref_slice %arg3[%dma_start3A_146, %dma_start3A_147] : memref<8192x64xf32, #tpu.memory_space<hbm>> -> memref<8192x64xf32, #tpu.memory_space<hbm>>
    tpu.enqueue_indirect_dma source(%dma_start3A_148 : memref<8192x64xf32, #tpu.memory_space<hbm>>) target(%arg8 : memref<128x64xf32, #tpu.memory_space<vmem>>) offsets(%dma_start3A_145 : memref<128xi32, #tpu.memory_space<vmem>>) semaphore(%arg12 : memref<!tpu.dma_semaphore, #tpu.memory_space<semaphore_mem>>)
    %run_scoped3A_149 = arith.constant 5 : i32
    "tpu.region"() ({
      %run_scoped3A_328 = tpu.sem_alloc : memref<!tpu.dma_semaphore, #tpu.memory_space<semaphore_mem>>
      %dma_start3A_329 = arith.constant 0 : i32
      %dma_start3A_330 = tpu.memref_slice %arg7[%run_scoped3A_149, %dma_start3A_329] : memref<16x128xi32, #tpu.memory_space<vmem>> -> memref<1x128xi32, #tpu.memory_space<vmem>>
      %dma_start3A_331 = tpu.memref_squeeze %dma_start3A_330 : memref<1x128xi32, #tpu.memory_space<vmem>> -> memref<128xi32, #tpu.memory_space<vmem>>
      %dma_start3A_332 = arith.constant 0 : i32
      %dma_start3A_333 = tpu.memref_slice %arg11[%dma_start3A_332] : memref<8192xf32, #tpu.memory_space<vmem_shared>> -> memref<8192xf32, #tpu.memory_space<vmem_shared>>
      tpu.enqueue_indirect_dma source(%arg10 : memref<128xf32, #tpu.memory_space<vmem>>) target(%dma_start3A_333 : memref<8192xf32, #tpu.memory_space<vmem_shared>>) offsets(%dma_start3A_331 : memref<128xi32, #tpu.memory_space<vmem>>) semaphore(%run_scoped3A_328 : memref<!tpu.dma_semaphore, #tpu.memory_space<semaphore_mem>>) {add = true}
      %dma_wait3A_334 = arith.constant 0 : i32
      %dma_wait3A_335 = tpu.memref_slice %arg7[%run_scoped3A_149, %dma_wait3A_334] : memref<16x128xi32, #tpu.memory_space<vmem>> -> memref<1x128xi32, #tpu.memory_space<vmem>>
      %dma_wait3A_336 = tpu.memref_squeeze %dma_wait3A_335 : memref<1x128xi32, #tpu.memory_space<vmem>> -> memref<128xi32, #tpu.memory_space<vmem>>
      %dma_wait3A_337 = arith.constant 0 : i32
      %dma_wait3A_338 = tpu.memref_slice %arg11[%dma_wait3A_337] : memref<8192xf32, #tpu.memory_space<vmem_shared>> -> memref<8192xf32, #tpu.memory_space<vmem_shared>>
      tpu.wait_indirect_dma semaphore(%run_scoped3A_328 : memref<!tpu.dma_semaphore, #tpu.memory_space<semaphore_mem>>) src(%arg10 : memref<128xf32, #tpu.memory_space<vmem>>) dst(%dma_wait3A_338 : memref<8192xf32, #tpu.memory_space<vmem_shared>>)
      tpu.yield
    }) : () -> ()
    %dma_wait3A_150 = arith.constant 5 : i32
    %dma_wait3A_151 = arith.constant 0 : i32
    %dma_wait3A_152 = tpu.memref_slice %arg7[%dma_wait3A_150, %dma_wait3A_151] : memref<16x128xi32, #tpu.memory_space<vmem>> -> memref<1x128xi32, #tpu.memory_space<vmem>>
    %dma_wait3A_153 = tpu.memref_squeeze %dma_wait3A_152 : memref<1x128xi32, #tpu.memory_space<vmem>> -> memref<128xi32, #tpu.memory_space<vmem>>
    %dma_wait3A_154 = arith.constant 0 : i32
    %dma_wait3A_155 = arith.constant 0 : i32
    %dma_wait3A_156 = tpu.memref_slice %arg3[%dma_wait3A_154, %dma_wait3A_155] : memref<8192x64xf32, #tpu.memory_space<hbm>> -> memref<8192x64xf32, #tpu.memory_space<hbm>>
    tpu.wait_indirect_dma semaphore(%arg13 : memref<!tpu.dma_semaphore, #tpu.memory_space<semaphore_mem>>) src(%dma_wait3A_156 : memref<8192x64xf32, #tpu.memory_space<hbm>>) dst(%arg9 : memref<128x64xf32, #tpu.memory_space<vmem>>)
    %add3A_157 = arith.constant 640 : i32
    %add3A_158 = arith.addi %mul3A_4, %add3A_157 : i32
    "tpu.region"() ({
      %run_scoped3A_328 = tpu.sem_alloc : memref<!tpu.dma_semaphore, #tpu.memory_space<semaphore_mem>>
      %dma_start3A_329 = arith.constant 0 : i32
      %dma_start3A_330 = tpu.memref_slice %arg5[%add3A_158, %dma_start3A_329] : memref<65536x64xf32, #tpu.memory_space<hbm>> -> memref<128x64xf32, #tpu.memory_space<hbm>>
      %dma_start3A_331 = arith.constant 0 : i32
      %dma_start3A_332 = tpu.memref_slice %arg5[%add3A_158, %dma_start3A_331] : memref<65536x64xf32, #tpu.memory_space<hbm>> -> memref<128x64xf32, #tpu.memory_space<hbm>>
      tpu.enqueue_dma source(%arg9 : memref<128x64xf32, #tpu.memory_space<vmem>>) target(%dma_start3A_332 : memref<128x64xf32, #tpu.memory_space<hbm>>) target_semaphore(%run_scoped3A_328 : memref<!tpu.dma_semaphore, #tpu.memory_space<semaphore_mem>>)
      %dma_wait3A_333 = arith.constant 0 : i32
      %dma_wait3A_334 = tpu.memref_slice %arg5[%add3A_158, %dma_wait3A_333] : memref<65536x64xf32, #tpu.memory_space<hbm>> -> memref<128x64xf32, #tpu.memory_space<hbm>>
      %dma_wait3A_335 = arith.constant 0 : i32
      %dma_wait3A_336 = tpu.memref_slice %arg5[%add3A_158, %dma_wait3A_335] : memref<65536x64xf32, #tpu.memory_space<hbm>> -> memref<128x64xf32, #tpu.memory_space<hbm>>
      tpu.wait_dma2 semaphore(%run_scoped3A_328 : memref<!tpu.dma_semaphore, #tpu.memory_space<semaphore_mem>>) src(%arg9 : memref<128x64xf32, #tpu.memory_space<vmem>>) dst(%dma_wait3A_336 : memref<128x64xf32, #tpu.memory_space<hbm>>)
      tpu.yield
    }) : () -> ()
    %dma_start3A_159 = arith.constant 7 : i32
    %dma_start3A_160 = arith.constant 0 : i32
    %dma_start3A_161 = tpu.memref_slice %arg7[%dma_start3A_159, %dma_start3A_160] : memref<16x128xi32, #tpu.memory_space<vmem>> -> memref<1x128xi32, #tpu.memory_space<vmem>>
    %dma_start3A_162 = tpu.memref_squeeze %dma_start3A_161 : memref<1x128xi32, #tpu.memory_space<vmem>> -> memref<128xi32, #tpu.memory_space<vmem>>
    %dma_start3A_163 = arith.constant 0 : i32
    %dma_start3A_164 = arith.constant 0 : i32
    %dma_start3A_165 = tpu.memref_slice %arg3[%dma_start3A_163, %dma_start3A_164] : memref<8192x64xf32, #tpu.memory_space<hbm>> -> memref<8192x64xf32, #tpu.memory_space<hbm>>
    tpu.enqueue_indirect_dma source(%dma_start3A_165 : memref<8192x64xf32, #tpu.memory_space<hbm>>) target(%arg9 : memref<128x64xf32, #tpu.memory_space<vmem>>) offsets(%dma_start3A_162 : memref<128xi32, #tpu.memory_space<vmem>>) semaphore(%arg13 : memref<!tpu.dma_semaphore, #tpu.memory_space<semaphore_mem>>)
    %run_scoped3A_166 = arith.constant 6 : i32
    "tpu.region"() ({
      %run_scoped3A_328 = tpu.sem_alloc : memref<!tpu.dma_semaphore, #tpu.memory_space<semaphore_mem>>
      %dma_start3A_329 = arith.constant 0 : i32
      %dma_start3A_330 = tpu.memref_slice %arg7[%run_scoped3A_166, %dma_start3A_329] : memref<16x128xi32, #tpu.memory_space<vmem>> -> memref<1x128xi32, #tpu.memory_space<vmem>>
      %dma_start3A_331 = tpu.memref_squeeze %dma_start3A_330 : memref<1x128xi32, #tpu.memory_space<vmem>> -> memref<128xi32, #tpu.memory_space<vmem>>
      %dma_start3A_332 = arith.constant 0 : i32
      %dma_start3A_333 = tpu.memref_slice %arg11[%dma_start3A_332] : memref<8192xf32, #tpu.memory_space<vmem_shared>> -> memref<8192xf32, #tpu.memory_space<vmem_shared>>
      tpu.enqueue_indirect_dma source(%arg10 : memref<128xf32, #tpu.memory_space<vmem>>) target(%dma_start3A_333 : memref<8192xf32, #tpu.memory_space<vmem_shared>>) offsets(%dma_start3A_331 : memref<128xi32, #tpu.memory_space<vmem>>) semaphore(%run_scoped3A_328 : memref<!tpu.dma_semaphore, #tpu.memory_space<semaphore_mem>>) {add = true}
      %dma_wait3A_334 = arith.constant 0 : i32
      %dma_wait3A_335 = tpu.memref_slice %arg7[%run_scoped3A_166, %dma_wait3A_334] : memref<16x128xi32, #tpu.memory_space<vmem>> -> memref<1x128xi32, #tpu.memory_space<vmem>>
      %dma_wait3A_336 = tpu.memref_squeeze %dma_wait3A_335 : memref<1x128xi32, #tpu.memory_space<vmem>> -> memref<128xi32, #tpu.memory_space<vmem>>
      %dma_wait3A_337 = arith.constant 0 : i32
      %dma_wait3A_338 = tpu.memref_slice %arg11[%dma_wait3A_337] : memref<8192xf32, #tpu.memory_space<vmem_shared>> -> memref<8192xf32, #tpu.memory_space<vmem_shared>>
      tpu.wait_indirect_dma semaphore(%run_scoped3A_328 : memref<!tpu.dma_semaphore, #tpu.memory_space<semaphore_mem>>) src(%arg10 : memref<128xf32, #tpu.memory_space<vmem>>) dst(%dma_wait3A_338 : memref<8192xf32, #tpu.memory_space<vmem_shared>>)
      tpu.yield
    }) : () -> ()
    %dma_wait3A_167 = arith.constant 6 : i32
    %dma_wait3A_168 = arith.constant 0 : i32
    %dma_wait3A_169 = tpu.memref_slice %arg7[%dma_wait3A_167, %dma_wait3A_168] : memref<16x128xi32, #tpu.memory_space<vmem>> -> memref<1x128xi32, #tpu.memory_space<vmem>>
    %dma_wait3A_170 = tpu.memref_squeeze %dma_wait3A_169 : memref<1x128xi32, #tpu.memory_space<vmem>> -> memref<128xi32, #tpu.memory_space<vmem>>
    %dma_wait3A_171 = arith.constant 0 : i32
    %dma_wait3A_172 = arith.constant 0 : i32
    %dma_wait3A_173 = tpu.memref_slice %arg3[%dma_wait3A_171, %dma_wait3A_172] : memref<8192x64xf32, #tpu.memory_space<hbm>> -> memref<8192x64xf32, #tpu.memory_space<hbm>>
    tpu.wait_indirect_dma semaphore(%arg12 : memref<!tpu.dma_semaphore, #tpu.memory_space<semaphore_mem>>) src(%dma_wait3A_173 : memref<8192x64xf32, #tpu.memory_space<hbm>>) dst(%arg8 : memref<128x64xf32, #tpu.memory_space<vmem>>)
    %add3A_174 = arith.constant 768 : i32
    %add3A_175 = arith.addi %mul3A_4, %add3A_174 : i32
    "tpu.region"() ({
      %run_scoped3A_328 = tpu.sem_alloc : memref<!tpu.dma_semaphore, #tpu.memory_space<semaphore_mem>>
      %dma_start3A_329 = arith.constant 0 : i32
      %dma_start3A_330 = tpu.memref_slice %arg5[%add3A_175, %dma_start3A_329] : memref<65536x64xf32, #tpu.memory_space<hbm>> -> memref<128x64xf32, #tpu.memory_space<hbm>>
      %dma_start3A_331 = arith.constant 0 : i32
      %dma_start3A_332 = tpu.memref_slice %arg5[%add3A_175, %dma_start3A_331] : memref<65536x64xf32, #tpu.memory_space<hbm>> -> memref<128x64xf32, #tpu.memory_space<hbm>>
      tpu.enqueue_dma source(%arg8 : memref<128x64xf32, #tpu.memory_space<vmem>>) target(%dma_start3A_332 : memref<128x64xf32, #tpu.memory_space<hbm>>) target_semaphore(%run_scoped3A_328 : memref<!tpu.dma_semaphore, #tpu.memory_space<semaphore_mem>>)
      %dma_wait3A_333 = arith.constant 0 : i32
      %dma_wait3A_334 = tpu.memref_slice %arg5[%add3A_175, %dma_wait3A_333] : memref<65536x64xf32, #tpu.memory_space<hbm>> -> memref<128x64xf32, #tpu.memory_space<hbm>>
      %dma_wait3A_335 = arith.constant 0 : i32
      %dma_wait3A_336 = tpu.memref_slice %arg5[%add3A_175, %dma_wait3A_335] : memref<65536x64xf32, #tpu.memory_space<hbm>> -> memref<128x64xf32, #tpu.memory_space<hbm>>
      tpu.wait_dma2 semaphore(%run_scoped3A_328 : memref<!tpu.dma_semaphore, #tpu.memory_space<semaphore_mem>>) src(%arg8 : memref<128x64xf32, #tpu.memory_space<vmem>>) dst(%dma_wait3A_336 : memref<128x64xf32, #tpu.memory_space<hbm>>)
      tpu.yield
    }) : () -> ()
    %dma_start3A_176 = arith.constant 8 : i32
    %dma_start3A_177 = arith.constant 0 : i32
    %dma_start3A_178 = tpu.memref_slice %arg7[%dma_start3A_176, %dma_start3A_177] : memref<16x128xi32, #tpu.memory_space<vmem>> -> memref<1x128xi32, #tpu.memory_space<vmem>>
    %dma_start3A_179 = tpu.memref_squeeze %dma_start3A_178 : memref<1x128xi32, #tpu.memory_space<vmem>> -> memref<128xi32, #tpu.memory_space<vmem>>
    %dma_start3A_180 = arith.constant 0 : i32
    %dma_start3A_181 = arith.constant 0 : i32
    %dma_start3A_182 = tpu.memref_slice %arg3[%dma_start3A_180, %dma_start3A_181] : memref<8192x64xf32, #tpu.memory_space<hbm>> -> memref<8192x64xf32, #tpu.memory_space<hbm>>
    tpu.enqueue_indirect_dma source(%dma_start3A_182 : memref<8192x64xf32, #tpu.memory_space<hbm>>) target(%arg8 : memref<128x64xf32, #tpu.memory_space<vmem>>) offsets(%dma_start3A_179 : memref<128xi32, #tpu.memory_space<vmem>>) semaphore(%arg12 : memref<!tpu.dma_semaphore, #tpu.memory_space<semaphore_mem>>)
    %run_scoped3A_183 = arith.constant 7 : i32
    "tpu.region"() ({
      %run_scoped3A_328 = tpu.sem_alloc : memref<!tpu.dma_semaphore, #tpu.memory_space<semaphore_mem>>
      %dma_start3A_329 = arith.constant 0 : i32
      %dma_start3A_330 = tpu.memref_slice %arg7[%run_scoped3A_183, %dma_start3A_329] : memref<16x128xi32, #tpu.memory_space<vmem>> -> memref<1x128xi32, #tpu.memory_space<vmem>>
      %dma_start3A_331 = tpu.memref_squeeze %dma_start3A_330 : memref<1x128xi32, #tpu.memory_space<vmem>> -> memref<128xi32, #tpu.memory_space<vmem>>
      %dma_start3A_332 = arith.constant 0 : i32
      %dma_start3A_333 = tpu.memref_slice %arg11[%dma_start3A_332] : memref<8192xf32, #tpu.memory_space<vmem_shared>> -> memref<8192xf32, #tpu.memory_space<vmem_shared>>
      tpu.enqueue_indirect_dma source(%arg10 : memref<128xf32, #tpu.memory_space<vmem>>) target(%dma_start3A_333 : memref<8192xf32, #tpu.memory_space<vmem_shared>>) offsets(%dma_start3A_331 : memref<128xi32, #tpu.memory_space<vmem>>) semaphore(%run_scoped3A_328 : memref<!tpu.dma_semaphore, #tpu.memory_space<semaphore_mem>>) {add = true}
      %dma_wait3A_334 = arith.constant 0 : i32
      %dma_wait3A_335 = tpu.memref_slice %arg7[%run_scoped3A_183, %dma_wait3A_334] : memref<16x128xi32, #tpu.memory_space<vmem>> -> memref<1x128xi32, #tpu.memory_space<vmem>>
      %dma_wait3A_336 = tpu.memref_squeeze %dma_wait3A_335 : memref<1x128xi32, #tpu.memory_space<vmem>> -> memref<128xi32, #tpu.memory_space<vmem>>
      %dma_wait3A_337 = arith.constant 0 : i32
      %dma_wait3A_338 = tpu.memref_slice %arg11[%dma_wait3A_337] : memref<8192xf32, #tpu.memory_space<vmem_shared>> -> memref<8192xf32, #tpu.memory_space<vmem_shared>>
      tpu.wait_indirect_dma semaphore(%run_scoped3A_328 : memref<!tpu.dma_semaphore, #tpu.memory_space<semaphore_mem>>) src(%arg10 : memref<128xf32, #tpu.memory_space<vmem>>) dst(%dma_wait3A_338 : memref<8192xf32, #tpu.memory_space<vmem_shared>>)
      tpu.yield
    }) : () -> ()
    %dma_wait3A_184 = arith.constant 7 : i32
    %dma_wait3A_185 = arith.constant 0 : i32
    %dma_wait3A_186 = tpu.memref_slice %arg7[%dma_wait3A_184, %dma_wait3A_185] : memref<16x128xi32, #tpu.memory_space<vmem>> -> memref<1x128xi32, #tpu.memory_space<vmem>>
    %dma_wait3A_187 = tpu.memref_squeeze %dma_wait3A_186 : memref<1x128xi32, #tpu.memory_space<vmem>> -> memref<128xi32, #tpu.memory_space<vmem>>
    %dma_wait3A_188 = arith.constant 0 : i32
    %dma_wait3A_189 = arith.constant 0 : i32
    %dma_wait3A_190 = tpu.memref_slice %arg3[%dma_wait3A_188, %dma_wait3A_189] : memref<8192x64xf32, #tpu.memory_space<hbm>> -> memref<8192x64xf32, #tpu.memory_space<hbm>>
    tpu.wait_indirect_dma semaphore(%arg13 : memref<!tpu.dma_semaphore, #tpu.memory_space<semaphore_mem>>) src(%dma_wait3A_190 : memref<8192x64xf32, #tpu.memory_space<hbm>>) dst(%arg9 : memref<128x64xf32, #tpu.memory_space<vmem>>)
    %add3A_191 = arith.constant 896 : i32
    %add3A_192 = arith.addi %mul3A_4, %add3A_191 : i32
    "tpu.region"() ({
      %run_scoped3A_328 = tpu.sem_alloc : memref<!tpu.dma_semaphore, #tpu.memory_space<semaphore_mem>>
      %dma_start3A_329 = arith.constant 0 : i32
      %dma_start3A_330 = tpu.memref_slice %arg5[%add3A_192, %dma_start3A_329] : memref<65536x64xf32, #tpu.memory_space<hbm>> -> memref<128x64xf32, #tpu.memory_space<hbm>>
      %dma_start3A_331 = arith.constant 0 : i32
      %dma_start3A_332 = tpu.memref_slice %arg5[%add3A_192, %dma_start3A_331] : memref<65536x64xf32, #tpu.memory_space<hbm>> -> memref<128x64xf32, #tpu.memory_space<hbm>>
      tpu.enqueue_dma source(%arg9 : memref<128x64xf32, #tpu.memory_space<vmem>>) target(%dma_start3A_332 : memref<128x64xf32, #tpu.memory_space<hbm>>) target_semaphore(%run_scoped3A_328 : memref<!tpu.dma_semaphore, #tpu.memory_space<semaphore_mem>>)
      %dma_wait3A_333 = arith.constant 0 : i32
      %dma_wait3A_334 = tpu.memref_slice %arg5[%add3A_192, %dma_wait3A_333] : memref<65536x64xf32, #tpu.memory_space<hbm>> -> memref<128x64xf32, #tpu.memory_space<hbm>>
      %dma_wait3A_335 = arith.constant 0 : i32
      %dma_wait3A_336 = tpu.memref_slice %arg5[%add3A_192, %dma_wait3A_335] : memref<65536x64xf32, #tpu.memory_space<hbm>> -> memref<128x64xf32, #tpu.memory_space<hbm>>
      tpu.wait_dma2 semaphore(%run_scoped3A_328 : memref<!tpu.dma_semaphore, #tpu.memory_space<semaphore_mem>>) src(%arg9 : memref<128x64xf32, #tpu.memory_space<vmem>>) dst(%dma_wait3A_336 : memref<128x64xf32, #tpu.memory_space<hbm>>)
      tpu.yield
    }) : () -> ()
    %dma_start3A_193 = arith.constant 9 : i32
    %dma_start3A_194 = arith.constant 0 : i32
    %dma_start3A_195 = tpu.memref_slice %arg7[%dma_start3A_193, %dma_start3A_194] : memref<16x128xi32, #tpu.memory_space<vmem>> -> memref<1x128xi32, #tpu.memory_space<vmem>>
    %dma_start3A_196 = tpu.memref_squeeze %dma_start3A_195 : memref<1x128xi32, #tpu.memory_space<vmem>> -> memref<128xi32, #tpu.memory_space<vmem>>
    %dma_start3A_197 = arith.constant 0 : i32
    %dma_start3A_198 = arith.constant 0 : i32
    %dma_start3A_199 = tpu.memref_slice %arg3[%dma_start3A_197, %dma_start3A_198] : memref<8192x64xf32, #tpu.memory_space<hbm>> -> memref<8192x64xf32, #tpu.memory_space<hbm>>
    tpu.enqueue_indirect_dma source(%dma_start3A_199 : memref<8192x64xf32, #tpu.memory_space<hbm>>) target(%arg9 : memref<128x64xf32, #tpu.memory_space<vmem>>) offsets(%dma_start3A_196 : memref<128xi32, #tpu.memory_space<vmem>>) semaphore(%arg13 : memref<!tpu.dma_semaphore, #tpu.memory_space<semaphore_mem>>)
    %run_scoped3A_200 = arith.constant 8 : i32
    "tpu.region"() ({
      %run_scoped3A_328 = tpu.sem_alloc : memref<!tpu.dma_semaphore, #tpu.memory_space<semaphore_mem>>
      %dma_start3A_329 = arith.constant 0 : i32
      %dma_start3A_330 = tpu.memref_slice %arg7[%run_scoped3A_200, %dma_start3A_329] : memref<16x128xi32, #tpu.memory_space<vmem>> -> memref<1x128xi32, #tpu.memory_space<vmem>>
      %dma_start3A_331 = tpu.memref_squeeze %dma_start3A_330 : memref<1x128xi32, #tpu.memory_space<vmem>> -> memref<128xi32, #tpu.memory_space<vmem>>
      %dma_start3A_332 = arith.constant 0 : i32
      %dma_start3A_333 = tpu.memref_slice %arg11[%dma_start3A_332] : memref<8192xf32, #tpu.memory_space<vmem_shared>> -> memref<8192xf32, #tpu.memory_space<vmem_shared>>
      tpu.enqueue_indirect_dma source(%arg10 : memref<128xf32, #tpu.memory_space<vmem>>) target(%dma_start3A_333 : memref<8192xf32, #tpu.memory_space<vmem_shared>>) offsets(%dma_start3A_331 : memref<128xi32, #tpu.memory_space<vmem>>) semaphore(%run_scoped3A_328 : memref<!tpu.dma_semaphore, #tpu.memory_space<semaphore_mem>>) {add = true}
      %dma_wait3A_334 = arith.constant 0 : i32
      %dma_wait3A_335 = tpu.memref_slice %arg7[%run_scoped3A_200, %dma_wait3A_334] : memref<16x128xi32, #tpu.memory_space<vmem>> -> memref<1x128xi32, #tpu.memory_space<vmem>>
      %dma_wait3A_336 = tpu.memref_squeeze %dma_wait3A_335 : memref<1x128xi32, #tpu.memory_space<vmem>> -> memref<128xi32, #tpu.memory_space<vmem>>
      %dma_wait3A_337 = arith.constant 0 : i32
      %dma_wait3A_338 = tpu.memref_slice %arg11[%dma_wait3A_337] : memref<8192xf32, #tpu.memory_space<vmem_shared>> -> memref<8192xf32, #tpu.memory_space<vmem_shared>>
      tpu.wait_indirect_dma semaphore(%run_scoped3A_328 : memref<!tpu.dma_semaphore, #tpu.memory_space<semaphore_mem>>) src(%arg10 : memref<128xf32, #tpu.memory_space<vmem>>) dst(%dma_wait3A_338 : memref<8192xf32, #tpu.memory_space<vmem_shared>>)
      tpu.yield
    }) : () -> ()
    %dma_wait3A_201 = arith.constant 8 : i32
    %dma_wait3A_202 = arith.constant 0 : i32
    %dma_wait3A_203 = tpu.memref_slice %arg7[%dma_wait3A_201, %dma_wait3A_202] : memref<16x128xi32, #tpu.memory_space<vmem>> -> memref<1x128xi32, #tpu.memory_space<vmem>>
    %dma_wait3A_204 = tpu.memref_squeeze %dma_wait3A_203 : memref<1x128xi32, #tpu.memory_space<vmem>> -> memref<128xi32, #tpu.memory_space<vmem>>
    %dma_wait3A_205 = arith.constant 0 : i32
    %dma_wait3A_206 = arith.constant 0 : i32
    %dma_wait3A_207 = tpu.memref_slice %arg3[%dma_wait3A_205, %dma_wait3A_206] : memref<8192x64xf32, #tpu.memory_space<hbm>> -> memref<8192x64xf32, #tpu.memory_space<hbm>>
    tpu.wait_indirect_dma semaphore(%arg12 : memref<!tpu.dma_semaphore, #tpu.memory_space<semaphore_mem>>) src(%dma_wait3A_207 : memref<8192x64xf32, #tpu.memory_space<hbm>>) dst(%arg8 : memref<128x64xf32, #tpu.memory_space<vmem>>)
    %add3A_208 = arith.constant 1024 : i32
    %add3A_209 = arith.addi %mul3A_4, %add3A_208 : i32
    "tpu.region"() ({
      %run_scoped3A_328 = tpu.sem_alloc : memref<!tpu.dma_semaphore, #tpu.memory_space<semaphore_mem>>
      %dma_start3A_329 = arith.constant 0 : i32
      %dma_start3A_330 = tpu.memref_slice %arg5[%add3A_209, %dma_start3A_329] : memref<65536x64xf32, #tpu.memory_space<hbm>> -> memref<128x64xf32, #tpu.memory_space<hbm>>
      %dma_start3A_331 = arith.constant 0 : i32
      %dma_start3A_332 = tpu.memref_slice %arg5[%add3A_209, %dma_start3A_331] : memref<65536x64xf32, #tpu.memory_space<hbm>> -> memref<128x64xf32, #tpu.memory_space<hbm>>
      tpu.enqueue_dma source(%arg8 : memref<128x64xf32, #tpu.memory_space<vmem>>) target(%dma_start3A_332 : memref<128x64xf32, #tpu.memory_space<hbm>>) target_semaphore(%run_scoped3A_328 : memref<!tpu.dma_semaphore, #tpu.memory_space<semaphore_mem>>)
      %dma_wait3A_333 = arith.constant 0 : i32
      %dma_wait3A_334 = tpu.memref_slice %arg5[%add3A_209, %dma_wait3A_333] : memref<65536x64xf32, #tpu.memory_space<hbm>> -> memref<128x64xf32, #tpu.memory_space<hbm>>
      %dma_wait3A_335 = arith.constant 0 : i32
      %dma_wait3A_336 = tpu.memref_slice %arg5[%add3A_209, %dma_wait3A_335] : memref<65536x64xf32, #tpu.memory_space<hbm>> -> memref<128x64xf32, #tpu.memory_space<hbm>>
      tpu.wait_dma2 semaphore(%run_scoped3A_328 : memref<!tpu.dma_semaphore, #tpu.memory_space<semaphore_mem>>) src(%arg8 : memref<128x64xf32, #tpu.memory_space<vmem>>) dst(%dma_wait3A_336 : memref<128x64xf32, #tpu.memory_space<hbm>>)
      tpu.yield
    }) : () -> ()
    %dma_start3A_210 = arith.constant 10 : i32
    %dma_start3A_211 = arith.constant 0 : i32
    %dma_start3A_212 = tpu.memref_slice %arg7[%dma_start3A_210, %dma_start3A_211] : memref<16x128xi32, #tpu.memory_space<vmem>> -> memref<1x128xi32, #tpu.memory_space<vmem>>
    %dma_start3A_213 = tpu.memref_squeeze %dma_start3A_212 : memref<1x128xi32, #tpu.memory_space<vmem>> -> memref<128xi32, #tpu.memory_space<vmem>>
    %dma_start3A_214 = arith.constant 0 : i32
    %dma_start3A_215 = arith.constant 0 : i32
    %dma_start3A_216 = tpu.memref_slice %arg3[%dma_start3A_214, %dma_start3A_215] : memref<8192x64xf32, #tpu.memory_space<hbm>> -> memref<8192x64xf32, #tpu.memory_space<hbm>>
    tpu.enqueue_indirect_dma source(%dma_start3A_216 : memref<8192x64xf32, #tpu.memory_space<hbm>>) target(%arg8 : memref<128x64xf32, #tpu.memory_space<vmem>>) offsets(%dma_start3A_213 : memref<128xi32, #tpu.memory_space<vmem>>) semaphore(%arg12 : memref<!tpu.dma_semaphore, #tpu.memory_space<semaphore_mem>>)
    %run_scoped3A_217 = arith.constant 9 : i32
    "tpu.region"() ({
      %run_scoped3A_328 = tpu.sem_alloc : memref<!tpu.dma_semaphore, #tpu.memory_space<semaphore_mem>>
      %dma_start3A_329 = arith.constant 0 : i32
      %dma_start3A_330 = tpu.memref_slice %arg7[%run_scoped3A_217, %dma_start3A_329] : memref<16x128xi32, #tpu.memory_space<vmem>> -> memref<1x128xi32, #tpu.memory_space<vmem>>
      %dma_start3A_331 = tpu.memref_squeeze %dma_start3A_330 : memref<1x128xi32, #tpu.memory_space<vmem>> -> memref<128xi32, #tpu.memory_space<vmem>>
      %dma_start3A_332 = arith.constant 0 : i32
      %dma_start3A_333 = tpu.memref_slice %arg11[%dma_start3A_332] : memref<8192xf32, #tpu.memory_space<vmem_shared>> -> memref<8192xf32, #tpu.memory_space<vmem_shared>>
      tpu.enqueue_indirect_dma source(%arg10 : memref<128xf32, #tpu.memory_space<vmem>>) target(%dma_start3A_333 : memref<8192xf32, #tpu.memory_space<vmem_shared>>) offsets(%dma_start3A_331 : memref<128xi32, #tpu.memory_space<vmem>>) semaphore(%run_scoped3A_328 : memref<!tpu.dma_semaphore, #tpu.memory_space<semaphore_mem>>) {add = true}
      %dma_wait3A_334 = arith.constant 0 : i32
      %dma_wait3A_335 = tpu.memref_slice %arg7[%run_scoped3A_217, %dma_wait3A_334] : memref<16x128xi32, #tpu.memory_space<vmem>> -> memref<1x128xi32, #tpu.memory_space<vmem>>
      %dma_wait3A_336 = tpu.memref_squeeze %dma_wait3A_335 : memref<1x128xi32, #tpu.memory_space<vmem>> -> memref<128xi32, #tpu.memory_space<vmem>>
      %dma_wait3A_337 = arith.constant 0 : i32
      %dma_wait3A_338 = tpu.memref_slice %arg11[%dma_wait3A_337] : memref<8192xf32, #tpu.memory_space<vmem_shared>> -> memref<8192xf32, #tpu.memory_space<vmem_shared>>
      tpu.wait_indirect_dma semaphore(%run_scoped3A_328 : memref<!tpu.dma_semaphore, #tpu.memory_space<semaphore_mem>>) src(%arg10 : memref<128xf32, #tpu.memory_space<vmem>>) dst(%dma_wait3A_338 : memref<8192xf32, #tpu.memory_space<vmem_shared>>)
      tpu.yield
    }) : () -> ()
    %dma_wait3A_218 = arith.constant 9 : i32
    %dma_wait3A_219 = arith.constant 0 : i32
    %dma_wait3A_220 = tpu.memref_slice %arg7[%dma_wait3A_218, %dma_wait3A_219] : memref<16x128xi32, #tpu.memory_space<vmem>> -> memref<1x128xi32, #tpu.memory_space<vmem>>
    %dma_wait3A_221 = tpu.memref_squeeze %dma_wait3A_220 : memref<1x128xi32, #tpu.memory_space<vmem>> -> memref<128xi32, #tpu.memory_space<vmem>>
    %dma_wait3A_222 = arith.constant 0 : i32
    %dma_wait3A_223 = arith.constant 0 : i32
    %dma_wait3A_224 = tpu.memref_slice %arg3[%dma_wait3A_222, %dma_wait3A_223] : memref<8192x64xf32, #tpu.memory_space<hbm>> -> memref<8192x64xf32, #tpu.memory_space<hbm>>
    tpu.wait_indirect_dma semaphore(%arg13 : memref<!tpu.dma_semaphore, #tpu.memory_space<semaphore_mem>>) src(%dma_wait3A_224 : memref<8192x64xf32, #tpu.memory_space<hbm>>) dst(%arg9 : memref<128x64xf32, #tpu.memory_space<vmem>>)
    %add3A_225 = arith.constant 1152 : i32
    %add3A_226 = arith.addi %mul3A_4, %add3A_225 : i32
    "tpu.region"() ({
      %run_scoped3A_328 = tpu.sem_alloc : memref<!tpu.dma_semaphore, #tpu.memory_space<semaphore_mem>>
      %dma_start3A_329 = arith.constant 0 : i32
      %dma_start3A_330 = tpu.memref_slice %arg5[%add3A_226, %dma_start3A_329] : memref<65536x64xf32, #tpu.memory_space<hbm>> -> memref<128x64xf32, #tpu.memory_space<hbm>>
      %dma_start3A_331 = arith.constant 0 : i32
      %dma_start3A_332 = tpu.memref_slice %arg5[%add3A_226, %dma_start3A_331] : memref<65536x64xf32, #tpu.memory_space<hbm>> -> memref<128x64xf32, #tpu.memory_space<hbm>>
      tpu.enqueue_dma source(%arg9 : memref<128x64xf32, #tpu.memory_space<vmem>>) target(%dma_start3A_332 : memref<128x64xf32, #tpu.memory_space<hbm>>) target_semaphore(%run_scoped3A_328 : memref<!tpu.dma_semaphore, #tpu.memory_space<semaphore_mem>>)
      %dma_wait3A_333 = arith.constant 0 : i32
      %dma_wait3A_334 = tpu.memref_slice %arg5[%add3A_226, %dma_wait3A_333] : memref<65536x64xf32, #tpu.memory_space<hbm>> -> memref<128x64xf32, #tpu.memory_space<hbm>>
      %dma_wait3A_335 = arith.constant 0 : i32
      %dma_wait3A_336 = tpu.memref_slice %arg5[%add3A_226, %dma_wait3A_335] : memref<65536x64xf32, #tpu.memory_space<hbm>> -> memref<128x64xf32, #tpu.memory_space<hbm>>
      tpu.wait_dma2 semaphore(%run_scoped3A_328 : memref<!tpu.dma_semaphore, #tpu.memory_space<semaphore_mem>>) src(%arg9 : memref<128x64xf32, #tpu.memory_space<vmem>>) dst(%dma_wait3A_336 : memref<128x64xf32, #tpu.memory_space<hbm>>)
      tpu.yield
    }) : () -> ()
    %dma_start3A_227 = arith.constant 11 : i32
    %dma_start3A_228 = arith.constant 0 : i32
    %dma_start3A_229 = tpu.memref_slice %arg7[%dma_start3A_227, %dma_start3A_228] : memref<16x128xi32, #tpu.memory_space<vmem>> -> memref<1x128xi32, #tpu.memory_space<vmem>>
    %dma_start3A_230 = tpu.memref_squeeze %dma_start3A_229 : memref<1x128xi32, #tpu.memory_space<vmem>> -> memref<128xi32, #tpu.memory_space<vmem>>
    %dma_start3A_231 = arith.constant 0 : i32
    %dma_start3A_232 = arith.constant 0 : i32
    %dma_start3A_233 = tpu.memref_slice %arg3[%dma_start3A_231, %dma_start3A_232] : memref<8192x64xf32, #tpu.memory_space<hbm>> -> memref<8192x64xf32, #tpu.memory_space<hbm>>
    tpu.enqueue_indirect_dma source(%dma_start3A_233 : memref<8192x64xf32, #tpu.memory_space<hbm>>) target(%arg9 : memref<128x64xf32, #tpu.memory_space<vmem>>) offsets(%dma_start3A_230 : memref<128xi32, #tpu.memory_space<vmem>>) semaphore(%arg13 : memref<!tpu.dma_semaphore, #tpu.memory_space<semaphore_mem>>)
    %run_scoped3A_234 = arith.constant 10 : i32
    "tpu.region"() ({
      %run_scoped3A_328 = tpu.sem_alloc : memref<!tpu.dma_semaphore, #tpu.memory_space<semaphore_mem>>
      %dma_start3A_329 = arith.constant 0 : i32
      %dma_start3A_330 = tpu.memref_slice %arg7[%run_scoped3A_234, %dma_start3A_329] : memref<16x128xi32, #tpu.memory_space<vmem>> -> memref<1x128xi32, #tpu.memory_space<vmem>>
      %dma_start3A_331 = tpu.memref_squeeze %dma_start3A_330 : memref<1x128xi32, #tpu.memory_space<vmem>> -> memref<128xi32, #tpu.memory_space<vmem>>
      %dma_start3A_332 = arith.constant 0 : i32
      %dma_start3A_333 = tpu.memref_slice %arg11[%dma_start3A_332] : memref<8192xf32, #tpu.memory_space<vmem_shared>> -> memref<8192xf32, #tpu.memory_space<vmem_shared>>
      tpu.enqueue_indirect_dma source(%arg10 : memref<128xf32, #tpu.memory_space<vmem>>) target(%dma_start3A_333 : memref<8192xf32, #tpu.memory_space<vmem_shared>>) offsets(%dma_start3A_331 : memref<128xi32, #tpu.memory_space<vmem>>) semaphore(%run_scoped3A_328 : memref<!tpu.dma_semaphore, #tpu.memory_space<semaphore_mem>>) {add = true}
      %dma_wait3A_334 = arith.constant 0 : i32
      %dma_wait3A_335 = tpu.memref_slice %arg7[%run_scoped3A_234, %dma_wait3A_334] : memref<16x128xi32, #tpu.memory_space<vmem>> -> memref<1x128xi32, #tpu.memory_space<vmem>>
      %dma_wait3A_336 = tpu.memref_squeeze %dma_wait3A_335 : memref<1x128xi32, #tpu.memory_space<vmem>> -> memref<128xi32, #tpu.memory_space<vmem>>
      %dma_wait3A_337 = arith.constant 0 : i32
      %dma_wait3A_338 = tpu.memref_slice %arg11[%dma_wait3A_337] : memref<8192xf32, #tpu.memory_space<vmem_shared>> -> memref<8192xf32, #tpu.memory_space<vmem_shared>>
      tpu.wait_indirect_dma semaphore(%run_scoped3A_328 : memref<!tpu.dma_semaphore, #tpu.memory_space<semaphore_mem>>) src(%arg10 : memref<128xf32, #tpu.memory_space<vmem>>) dst(%dma_wait3A_338 : memref<8192xf32, #tpu.memory_space<vmem_shared>>)
      tpu.yield
    }) : () -> ()
    %dma_wait3A_235 = arith.constant 10 : i32
    %dma_wait3A_236 = arith.constant 0 : i32
    %dma_wait3A_237 = tpu.memref_slice %arg7[%dma_wait3A_235, %dma_wait3A_236] : memref<16x128xi32, #tpu.memory_space<vmem>> -> memref<1x128xi32, #tpu.memory_space<vmem>>
    %dma_wait3A_238 = tpu.memref_squeeze %dma_wait3A_237 : memref<1x128xi32, #tpu.memory_space<vmem>> -> memref<128xi32, #tpu.memory_space<vmem>>
    %dma_wait3A_239 = arith.constant 0 : i32
    %dma_wait3A_240 = arith.constant 0 : i32
    %dma_wait3A_241 = tpu.memref_slice %arg3[%dma_wait3A_239, %dma_wait3A_240] : memref<8192x64xf32, #tpu.memory_space<hbm>> -> memref<8192x64xf32, #tpu.memory_space<hbm>>
    tpu.wait_indirect_dma semaphore(%arg12 : memref<!tpu.dma_semaphore, #tpu.memory_space<semaphore_mem>>) src(%dma_wait3A_241 : memref<8192x64xf32, #tpu.memory_space<hbm>>) dst(%arg8 : memref<128x64xf32, #tpu.memory_space<vmem>>)
    %add3A_242 = arith.constant 1280 : i32
    %add3A_243 = arith.addi %mul3A_4, %add3A_242 : i32
    "tpu.region"() ({
      %run_scoped3A_328 = tpu.sem_alloc : memref<!tpu.dma_semaphore, #tpu.memory_space<semaphore_mem>>
      %dma_start3A_329 = arith.constant 0 : i32
      %dma_start3A_330 = tpu.memref_slice %arg5[%add3A_243, %dma_start3A_329] : memref<65536x64xf32, #tpu.memory_space<hbm>> -> memref<128x64xf32, #tpu.memory_space<hbm>>
      %dma_start3A_331 = arith.constant 0 : i32
      %dma_start3A_332 = tpu.memref_slice %arg5[%add3A_243, %dma_start3A_331] : memref<65536x64xf32, #tpu.memory_space<hbm>> -> memref<128x64xf32, #tpu.memory_space<hbm>>
      tpu.enqueue_dma source(%arg8 : memref<128x64xf32, #tpu.memory_space<vmem>>) target(%dma_start3A_332 : memref<128x64xf32, #tpu.memory_space<hbm>>) target_semaphore(%run_scoped3A_328 : memref<!tpu.dma_semaphore, #tpu.memory_space<semaphore_mem>>)
      %dma_wait3A_333 = arith.constant 0 : i32
      %dma_wait3A_334 = tpu.memref_slice %arg5[%add3A_243, %dma_wait3A_333] : memref<65536x64xf32, #tpu.memory_space<hbm>> -> memref<128x64xf32, #tpu.memory_space<hbm>>
      %dma_wait3A_335 = arith.constant 0 : i32
      %dma_wait3A_336 = tpu.memref_slice %arg5[%add3A_243, %dma_wait3A_335] : memref<65536x64xf32, #tpu.memory_space<hbm>> -> memref<128x64xf32, #tpu.memory_space<hbm>>
      tpu.wait_dma2 semaphore(%run_scoped3A_328 : memref<!tpu.dma_semaphore, #tpu.memory_space<semaphore_mem>>) src(%arg8 : memref<128x64xf32, #tpu.memory_space<vmem>>) dst(%dma_wait3A_336 : memref<128x64xf32, #tpu.memory_space<hbm>>)
      tpu.yield
    }) : () -> ()
    %dma_start3A_244 = arith.constant 12 : i32
    %dma_start3A_245 = arith.constant 0 : i32
    %dma_start3A_246 = tpu.memref_slice %arg7[%dma_start3A_244, %dma_start3A_245] : memref<16x128xi32, #tpu.memory_space<vmem>> -> memref<1x128xi32, #tpu.memory_space<vmem>>
    %dma_start3A_247 = tpu.memref_squeeze %dma_start3A_246 : memref<1x128xi32, #tpu.memory_space<vmem>> -> memref<128xi32, #tpu.memory_space<vmem>>
    %dma_start3A_248 = arith.constant 0 : i32
    %dma_start3A_249 = arith.constant 0 : i32
    %dma_start3A_250 = tpu.memref_slice %arg3[%dma_start3A_248, %dma_start3A_249] : memref<8192x64xf32, #tpu.memory_space<hbm>> -> memref<8192x64xf32, #tpu.memory_space<hbm>>
    tpu.enqueue_indirect_dma source(%dma_start3A_250 : memref<8192x64xf32, #tpu.memory_space<hbm>>) target(%arg8 : memref<128x64xf32, #tpu.memory_space<vmem>>) offsets(%dma_start3A_247 : memref<128xi32, #tpu.memory_space<vmem>>) semaphore(%arg12 : memref<!tpu.dma_semaphore, #tpu.memory_space<semaphore_mem>>)
    %run_scoped3A_251 = arith.constant 11 : i32
    "tpu.region"() ({
      %run_scoped3A_328 = tpu.sem_alloc : memref<!tpu.dma_semaphore, #tpu.memory_space<semaphore_mem>>
      %dma_start3A_329 = arith.constant 0 : i32
      %dma_start3A_330 = tpu.memref_slice %arg7[%run_scoped3A_251, %dma_start3A_329] : memref<16x128xi32, #tpu.memory_space<vmem>> -> memref<1x128xi32, #tpu.memory_space<vmem>>
      %dma_start3A_331 = tpu.memref_squeeze %dma_start3A_330 : memref<1x128xi32, #tpu.memory_space<vmem>> -> memref<128xi32, #tpu.memory_space<vmem>>
      %dma_start3A_332 = arith.constant 0 : i32
      %dma_start3A_333 = tpu.memref_slice %arg11[%dma_start3A_332] : memref<8192xf32, #tpu.memory_space<vmem_shared>> -> memref<8192xf32, #tpu.memory_space<vmem_shared>>
      tpu.enqueue_indirect_dma source(%arg10 : memref<128xf32, #tpu.memory_space<vmem>>) target(%dma_start3A_333 : memref<8192xf32, #tpu.memory_space<vmem_shared>>) offsets(%dma_start3A_331 : memref<128xi32, #tpu.memory_space<vmem>>) semaphore(%run_scoped3A_328 : memref<!tpu.dma_semaphore, #tpu.memory_space<semaphore_mem>>) {add = true}
      %dma_wait3A_334 = arith.constant 0 : i32
      %dma_wait3A_335 = tpu.memref_slice %arg7[%run_scoped3A_251, %dma_wait3A_334] : memref<16x128xi32, #tpu.memory_space<vmem>> -> memref<1x128xi32, #tpu.memory_space<vmem>>
      %dma_wait3A_336 = tpu.memref_squeeze %dma_wait3A_335 : memref<1x128xi32, #tpu.memory_space<vmem>> -> memref<128xi32, #tpu.memory_space<vmem>>
      %dma_wait3A_337 = arith.constant 0 : i32
      %dma_wait3A_338 = tpu.memref_slice %arg11[%dma_wait3A_337] : memref<8192xf32, #tpu.memory_space<vmem_shared>> -> memref<8192xf32, #tpu.memory_space<vmem_shared>>
      tpu.wait_indirect_dma semaphore(%run_scoped3A_328 : memref<!tpu.dma_semaphore, #tpu.memory_space<semaphore_mem>>) src(%arg10 : memref<128xf32, #tpu.memory_space<vmem>>) dst(%dma_wait3A_338 : memref<8192xf32, #tpu.memory_space<vmem_shared>>)
      tpu.yield
    }) : () -> ()
    %dma_wait3A_252 = arith.constant 11 : i32
    %dma_wait3A_253 = arith.constant 0 : i32
    %dma_wait3A_254 = tpu.memref_slice %arg7[%dma_wait3A_252, %dma_wait3A_253] : memref<16x128xi32, #tpu.memory_space<vmem>> -> memref<1x128xi32, #tpu.memory_space<vmem>>
    %dma_wait3A_255 = tpu.memref_squeeze %dma_wait3A_254 : memref<1x128xi32, #tpu.memory_space<vmem>> -> memref<128xi32, #tpu.memory_space<vmem>>
    %dma_wait3A_256 = arith.constant 0 : i32
    %dma_wait3A_257 = arith.constant 0 : i32
    %dma_wait3A_258 = tpu.memref_slice %arg3[%dma_wait3A_256, %dma_wait3A_257] : memref<8192x64xf32, #tpu.memory_space<hbm>> -> memref<8192x64xf32, #tpu.memory_space<hbm>>
    tpu.wait_indirect_dma semaphore(%arg13 : memref<!tpu.dma_semaphore, #tpu.memory_space<semaphore_mem>>) src(%dma_wait3A_258 : memref<8192x64xf32, #tpu.memory_space<hbm>>) dst(%arg9 : memref<128x64xf32, #tpu.memory_space<vmem>>)
    %add3A_259 = arith.constant 1408 : i32
    %add3A_260 = arith.addi %mul3A_4, %add3A_259 : i32
    "tpu.region"() ({
      %run_scoped3A_328 = tpu.sem_alloc : memref<!tpu.dma_semaphore, #tpu.memory_space<semaphore_mem>>
      %dma_start3A_329 = arith.constant 0 : i32
      %dma_start3A_330 = tpu.memref_slice %arg5[%add3A_260, %dma_start3A_329] : memref<65536x64xf32, #tpu.memory_space<hbm>> -> memref<128x64xf32, #tpu.memory_space<hbm>>
      %dma_start3A_331 = arith.constant 0 : i32
      %dma_start3A_332 = tpu.memref_slice %arg5[%add3A_260, %dma_start3A_331] : memref<65536x64xf32, #tpu.memory_space<hbm>> -> memref<128x64xf32, #tpu.memory_space<hbm>>
      tpu.enqueue_dma source(%arg9 : memref<128x64xf32, #tpu.memory_space<vmem>>) target(%dma_start3A_332 : memref<128x64xf32, #tpu.memory_space<hbm>>) target_semaphore(%run_scoped3A_328 : memref<!tpu.dma_semaphore, #tpu.memory_space<semaphore_mem>>)
      %dma_wait3A_333 = arith.constant 0 : i32
      %dma_wait3A_334 = tpu.memref_slice %arg5[%add3A_260, %dma_wait3A_333] : memref<65536x64xf32, #tpu.memory_space<hbm>> -> memref<128x64xf32, #tpu.memory_space<hbm>>
      %dma_wait3A_335 = arith.constant 0 : i32
      %dma_wait3A_336 = tpu.memref_slice %arg5[%add3A_260, %dma_wait3A_335] : memref<65536x64xf32, #tpu.memory_space<hbm>> -> memref<128x64xf32, #tpu.memory_space<hbm>>
      tpu.wait_dma2 semaphore(%run_scoped3A_328 : memref<!tpu.dma_semaphore, #tpu.memory_space<semaphore_mem>>) src(%arg9 : memref<128x64xf32, #tpu.memory_space<vmem>>) dst(%dma_wait3A_336 : memref<128x64xf32, #tpu.memory_space<hbm>>)
      tpu.yield
    }) : () -> ()
    %dma_start3A_261 = arith.constant 13 : i32
    %dma_start3A_262 = arith.constant 0 : i32
    %dma_start3A_263 = tpu.memref_slice %arg7[%dma_start3A_261, %dma_start3A_262] : memref<16x128xi32, #tpu.memory_space<vmem>> -> memref<1x128xi32, #tpu.memory_space<vmem>>
    %dma_start3A_264 = tpu.memref_squeeze %dma_start3A_263 : memref<1x128xi32, #tpu.memory_space<vmem>> -> memref<128xi32, #tpu.memory_space<vmem>>
    %dma_start3A_265 = arith.constant 0 : i32
    %dma_start3A_266 = arith.constant 0 : i32
    %dma_start3A_267 = tpu.memref_slice %arg3[%dma_start3A_265, %dma_start3A_266] : memref<8192x64xf32, #tpu.memory_space<hbm>> -> memref<8192x64xf32, #tpu.memory_space<hbm>>
    tpu.enqueue_indirect_dma source(%dma_start3A_267 : memref<8192x64xf32, #tpu.memory_space<hbm>>) target(%arg9 : memref<128x64xf32, #tpu.memory_space<vmem>>) offsets(%dma_start3A_264 : memref<128xi32, #tpu.memory_space<vmem>>) semaphore(%arg13 : memref<!tpu.dma_semaphore, #tpu.memory_space<semaphore_mem>>)
    %run_scoped3A_268 = arith.constant 12 : i32
    "tpu.region"() ({
      %run_scoped3A_328 = tpu.sem_alloc : memref<!tpu.dma_semaphore, #tpu.memory_space<semaphore_mem>>
      %dma_start3A_329 = arith.constant 0 : i32
      %dma_start3A_330 = tpu.memref_slice %arg7[%run_scoped3A_268, %dma_start3A_329] : memref<16x128xi32, #tpu.memory_space<vmem>> -> memref<1x128xi32, #tpu.memory_space<vmem>>
      %dma_start3A_331 = tpu.memref_squeeze %dma_start3A_330 : memref<1x128xi32, #tpu.memory_space<vmem>> -> memref<128xi32, #tpu.memory_space<vmem>>
      %dma_start3A_332 = arith.constant 0 : i32
      %dma_start3A_333 = tpu.memref_slice %arg11[%dma_start3A_332] : memref<8192xf32, #tpu.memory_space<vmem_shared>> -> memref<8192xf32, #tpu.memory_space<vmem_shared>>
      tpu.enqueue_indirect_dma source(%arg10 : memref<128xf32, #tpu.memory_space<vmem>>) target(%dma_start3A_333 : memref<8192xf32, #tpu.memory_space<vmem_shared>>) offsets(%dma_start3A_331 : memref<128xi32, #tpu.memory_space<vmem>>) semaphore(%run_scoped3A_328 : memref<!tpu.dma_semaphore, #tpu.memory_space<semaphore_mem>>) {add = true}
      %dma_wait3A_334 = arith.constant 0 : i32
      %dma_wait3A_335 = tpu.memref_slice %arg7[%run_scoped3A_268, %dma_wait3A_334] : memref<16x128xi32, #tpu.memory_space<vmem>> -> memref<1x128xi32, #tpu.memory_space<vmem>>
      %dma_wait3A_336 = tpu.memref_squeeze %dma_wait3A_335 : memref<1x128xi32, #tpu.memory_space<vmem>> -> memref<128xi32, #tpu.memory_space<vmem>>
      %dma_wait3A_337 = arith.constant 0 : i32
      %dma_wait3A_338 = tpu.memref_slice %arg11[%dma_wait3A_337] : memref<8192xf32, #tpu.memory_space<vmem_shared>> -> memref<8192xf32, #tpu.memory_space<vmem_shared>>
      tpu.wait_indirect_dma semaphore(%run_scoped3A_328 : memref<!tpu.dma_semaphore, #tpu.memory_space<semaphore_mem>>) src(%arg10 : memref<128xf32, #tpu.memory_space<vmem>>) dst(%dma_wait3A_338 : memref<8192xf32, #tpu.memory_space<vmem_shared>>)
      tpu.yield
    }) : () -> ()
    %dma_wait3A_269 = arith.constant 12 : i32
    %dma_wait3A_270 = arith.constant 0 : i32
    %dma_wait3A_271 = tpu.memref_slice %arg7[%dma_wait3A_269, %dma_wait3A_270] : memref<16x128xi32, #tpu.memory_space<vmem>> -> memref<1x128xi32, #tpu.memory_space<vmem>>
    %dma_wait3A_272 = tpu.memref_squeeze %dma_wait3A_271 : memref<1x128xi32, #tpu.memory_space<vmem>> -> memref<128xi32, #tpu.memory_space<vmem>>
    %dma_wait3A_273 = arith.constant 0 : i32
    %dma_wait3A_274 = arith.constant 0 : i32
    %dma_wait3A_275 = tpu.memref_slice %arg3[%dma_wait3A_273, %dma_wait3A_274] : memref<8192x64xf32, #tpu.memory_space<hbm>> -> memref<8192x64xf32, #tpu.memory_space<hbm>>
    tpu.wait_indirect_dma semaphore(%arg12 : memref<!tpu.dma_semaphore, #tpu.memory_space<semaphore_mem>>) src(%dma_wait3A_275 : memref<8192x64xf32, #tpu.memory_space<hbm>>) dst(%arg8 : memref<128x64xf32, #tpu.memory_space<vmem>>)
    %add3A_276 = arith.constant 1536 : i32
    %add3A_277 = arith.addi %mul3A_4, %add3A_276 : i32
    "tpu.region"() ({
      %run_scoped3A_328 = tpu.sem_alloc : memref<!tpu.dma_semaphore, #tpu.memory_space<semaphore_mem>>
      %dma_start3A_329 = arith.constant 0 : i32
      %dma_start3A_330 = tpu.memref_slice %arg5[%add3A_277, %dma_start3A_329] : memref<65536x64xf32, #tpu.memory_space<hbm>> -> memref<128x64xf32, #tpu.memory_space<hbm>>
      %dma_start3A_331 = arith.constant 0 : i32
      %dma_start3A_332 = tpu.memref_slice %arg5[%add3A_277, %dma_start3A_331] : memref<65536x64xf32, #tpu.memory_space<hbm>> -> memref<128x64xf32, #tpu.memory_space<hbm>>
      tpu.enqueue_dma source(%arg8 : memref<128x64xf32, #tpu.memory_space<vmem>>) target(%dma_start3A_332 : memref<128x64xf32, #tpu.memory_space<hbm>>) target_semaphore(%run_scoped3A_328 : memref<!tpu.dma_semaphore, #tpu.memory_space<semaphore_mem>>)
      %dma_wait3A_333 = arith.constant 0 : i32
      %dma_wait3A_334 = tpu.memref_slice %arg5[%add3A_277, %dma_wait3A_333] : memref<65536x64xf32, #tpu.memory_space<hbm>> -> memref<128x64xf32, #tpu.memory_space<hbm>>
      %dma_wait3A_335 = arith.constant 0 : i32
      %dma_wait3A_336 = tpu.memref_slice %arg5[%add3A_277, %dma_wait3A_335] : memref<65536x64xf32, #tpu.memory_space<hbm>> -> memref<128x64xf32, #tpu.memory_space<hbm>>
      tpu.wait_dma2 semaphore(%run_scoped3A_328 : memref<!tpu.dma_semaphore, #tpu.memory_space<semaphore_mem>>) src(%arg8 : memref<128x64xf32, #tpu.memory_space<vmem>>) dst(%dma_wait3A_336 : memref<128x64xf32, #tpu.memory_space<hbm>>)
      tpu.yield
    }) : () -> ()
    %dma_start3A_278 = arith.constant 14 : i32
    %dma_start3A_279 = arith.constant 0 : i32
    %dma_start3A_280 = tpu.memref_slice %arg7[%dma_start3A_278, %dma_start3A_279] : memref<16x128xi32, #tpu.memory_space<vmem>> -> memref<1x128xi32, #tpu.memory_space<vmem>>
    %dma_start3A_281 = tpu.memref_squeeze %dma_start3A_280 : memref<1x128xi32, #tpu.memory_space<vmem>> -> memref<128xi32, #tpu.memory_space<vmem>>
    %dma_start3A_282 = arith.constant 0 : i32
    %dma_start3A_283 = arith.constant 0 : i32
    %dma_start3A_284 = tpu.memref_slice %arg3[%dma_start3A_282, %dma_start3A_283] : memref<8192x64xf32, #tpu.memory_space<hbm>> -> memref<8192x64xf32, #tpu.memory_space<hbm>>
    tpu.enqueue_indirect_dma source(%dma_start3A_284 : memref<8192x64xf32, #tpu.memory_space<hbm>>) target(%arg8 : memref<128x64xf32, #tpu.memory_space<vmem>>) offsets(%dma_start3A_281 : memref<128xi32, #tpu.memory_space<vmem>>) semaphore(%arg12 : memref<!tpu.dma_semaphore, #tpu.memory_space<semaphore_mem>>)
    %run_scoped3A_285 = arith.constant 13 : i32
    "tpu.region"() ({
      %run_scoped3A_328 = tpu.sem_alloc : memref<!tpu.dma_semaphore, #tpu.memory_space<semaphore_mem>>
      %dma_start3A_329 = arith.constant 0 : i32
      %dma_start3A_330 = tpu.memref_slice %arg7[%run_scoped3A_285, %dma_start3A_329] : memref<16x128xi32, #tpu.memory_space<vmem>> -> memref<1x128xi32, #tpu.memory_space<vmem>>
      %dma_start3A_331 = tpu.memref_squeeze %dma_start3A_330 : memref<1x128xi32, #tpu.memory_space<vmem>> -> memref<128xi32, #tpu.memory_space<vmem>>
      %dma_start3A_332 = arith.constant 0 : i32
      %dma_start3A_333 = tpu.memref_slice %arg11[%dma_start3A_332] : memref<8192xf32, #tpu.memory_space<vmem_shared>> -> memref<8192xf32, #tpu.memory_space<vmem_shared>>
      tpu.enqueue_indirect_dma source(%arg10 : memref<128xf32, #tpu.memory_space<vmem>>) target(%dma_start3A_333 : memref<8192xf32, #tpu.memory_space<vmem_shared>>) offsets(%dma_start3A_331 : memref<128xi32, #tpu.memory_space<vmem>>) semaphore(%run_scoped3A_328 : memref<!tpu.dma_semaphore, #tpu.memory_space<semaphore_mem>>) {add = true}
      %dma_wait3A_334 = arith.constant 0 : i32
      %dma_wait3A_335 = tpu.memref_slice %arg7[%run_scoped3A_285, %dma_wait3A_334] : memref<16x128xi32, #tpu.memory_space<vmem>> -> memref<1x128xi32, #tpu.memory_space<vmem>>
      %dma_wait3A_336 = tpu.memref_squeeze %dma_wait3A_335 : memref<1x128xi32, #tpu.memory_space<vmem>> -> memref<128xi32, #tpu.memory_space<vmem>>
      %dma_wait3A_337 = arith.constant 0 : i32
      %dma_wait3A_338 = tpu.memref_slice %arg11[%dma_wait3A_337] : memref<8192xf32, #tpu.memory_space<vmem_shared>> -> memref<8192xf32, #tpu.memory_space<vmem_shared>>
      tpu.wait_indirect_dma semaphore(%run_scoped3A_328 : memref<!tpu.dma_semaphore, #tpu.memory_space<semaphore_mem>>) src(%arg10 : memref<128xf32, #tpu.memory_space<vmem>>) dst(%dma_wait3A_338 : memref<8192xf32, #tpu.memory_space<vmem_shared>>)
      tpu.yield
    }) : () -> ()
    %dma_wait3A_286 = arith.constant 13 : i32
    %dma_wait3A_287 = arith.constant 0 : i32
    %dma_wait3A_288 = tpu.memref_slice %arg7[%dma_wait3A_286, %dma_wait3A_287] : memref<16x128xi32, #tpu.memory_space<vmem>> -> memref<1x128xi32, #tpu.memory_space<vmem>>
    %dma_wait3A_289 = tpu.memref_squeeze %dma_wait3A_288 : memref<1x128xi32, #tpu.memory_space<vmem>> -> memref<128xi32, #tpu.memory_space<vmem>>
    %dma_wait3A_290 = arith.constant 0 : i32
    %dma_wait3A_291 = arith.constant 0 : i32
    %dma_wait3A_292 = tpu.memref_slice %arg3[%dma_wait3A_290, %dma_wait3A_291] : memref<8192x64xf32, #tpu.memory_space<hbm>> -> memref<8192x64xf32, #tpu.memory_space<hbm>>
    tpu.wait_indirect_dma semaphore(%arg13 : memref<!tpu.dma_semaphore, #tpu.memory_space<semaphore_mem>>) src(%dma_wait3A_292 : memref<8192x64xf32, #tpu.memory_space<hbm>>) dst(%arg9 : memref<128x64xf32, #tpu.memory_space<vmem>>)
    %add3A_293 = arith.constant 1664 : i32
    %add3A_294 = arith.addi %mul3A_4, %add3A_293 : i32
    "tpu.region"() ({
      %run_scoped3A_328 = tpu.sem_alloc : memref<!tpu.dma_semaphore, #tpu.memory_space<semaphore_mem>>
      %dma_start3A_329 = arith.constant 0 : i32
      %dma_start3A_330 = tpu.memref_slice %arg5[%add3A_294, %dma_start3A_329] : memref<65536x64xf32, #tpu.memory_space<hbm>> -> memref<128x64xf32, #tpu.memory_space<hbm>>
      %dma_start3A_331 = arith.constant 0 : i32
      %dma_start3A_332 = tpu.memref_slice %arg5[%add3A_294, %dma_start3A_331] : memref<65536x64xf32, #tpu.memory_space<hbm>> -> memref<128x64xf32, #tpu.memory_space<hbm>>
      tpu.enqueue_dma source(%arg9 : memref<128x64xf32, #tpu.memory_space<vmem>>) target(%dma_start3A_332 : memref<128x64xf32, #tpu.memory_space<hbm>>) target_semaphore(%run_scoped3A_328 : memref<!tpu.dma_semaphore, #tpu.memory_space<semaphore_mem>>)
      %dma_wait3A_333 = arith.constant 0 : i32
      %dma_wait3A_334 = tpu.memref_slice %arg5[%add3A_294, %dma_wait3A_333] : memref<65536x64xf32, #tpu.memory_space<hbm>> -> memref<128x64xf32, #tpu.memory_space<hbm>>
      %dma_wait3A_335 = arith.constant 0 : i32
      %dma_wait3A_336 = tpu.memref_slice %arg5[%add3A_294, %dma_wait3A_335] : memref<65536x64xf32, #tpu.memory_space<hbm>> -> memref<128x64xf32, #tpu.memory_space<hbm>>
      tpu.wait_dma2 semaphore(%run_scoped3A_328 : memref<!tpu.dma_semaphore, #tpu.memory_space<semaphore_mem>>) src(%arg9 : memref<128x64xf32, #tpu.memory_space<vmem>>) dst(%dma_wait3A_336 : memref<128x64xf32, #tpu.memory_space<hbm>>)
      tpu.yield
    }) : () -> ()
    %dma_start3A_295 = arith.constant 15 : i32
    %dma_start3A_296 = arith.constant 0 : i32
    %dma_start3A_297 = tpu.memref_slice %arg7[%dma_start3A_295, %dma_start3A_296] : memref<16x128xi32, #tpu.memory_space<vmem>> -> memref<1x128xi32, #tpu.memory_space<vmem>>
    %dma_start3A_298 = tpu.memref_squeeze %dma_start3A_297 : memref<1x128xi32, #tpu.memory_space<vmem>> -> memref<128xi32, #tpu.memory_space<vmem>>
    %dma_start3A_299 = arith.constant 0 : i32
    %dma_start3A_300 = arith.constant 0 : i32
    %dma_start3A_301 = tpu.memref_slice %arg3[%dma_start3A_299, %dma_start3A_300] : memref<8192x64xf32, #tpu.memory_space<hbm>> -> memref<8192x64xf32, #tpu.memory_space<hbm>>
    tpu.enqueue_indirect_dma source(%dma_start3A_301 : memref<8192x64xf32, #tpu.memory_space<hbm>>) target(%arg9 : memref<128x64xf32, #tpu.memory_space<vmem>>) offsets(%dma_start3A_298 : memref<128xi32, #tpu.memory_space<vmem>>) semaphore(%arg13 : memref<!tpu.dma_semaphore, #tpu.memory_space<semaphore_mem>>)
    %run_scoped3A_302 = arith.constant 14 : i32
    "tpu.region"() ({
      %run_scoped3A_328 = tpu.sem_alloc : memref<!tpu.dma_semaphore, #tpu.memory_space<semaphore_mem>>
      %dma_start3A_329 = arith.constant 0 : i32
      %dma_start3A_330 = tpu.memref_slice %arg7[%run_scoped3A_302, %dma_start3A_329] : memref<16x128xi32, #tpu.memory_space<vmem>> -> memref<1x128xi32, #tpu.memory_space<vmem>>
      %dma_start3A_331 = tpu.memref_squeeze %dma_start3A_330 : memref<1x128xi32, #tpu.memory_space<vmem>> -> memref<128xi32, #tpu.memory_space<vmem>>
      %dma_start3A_332 = arith.constant 0 : i32
      %dma_start3A_333 = tpu.memref_slice %arg11[%dma_start3A_332] : memref<8192xf32, #tpu.memory_space<vmem_shared>> -> memref<8192xf32, #tpu.memory_space<vmem_shared>>
      tpu.enqueue_indirect_dma source(%arg10 : memref<128xf32, #tpu.memory_space<vmem>>) target(%dma_start3A_333 : memref<8192xf32, #tpu.memory_space<vmem_shared>>) offsets(%dma_start3A_331 : memref<128xi32, #tpu.memory_space<vmem>>) semaphore(%run_scoped3A_328 : memref<!tpu.dma_semaphore, #tpu.memory_space<semaphore_mem>>) {add = true}
      %dma_wait3A_334 = arith.constant 0 : i32
      %dma_wait3A_335 = tpu.memref_slice %arg7[%run_scoped3A_302, %dma_wait3A_334] : memref<16x128xi32, #tpu.memory_space<vmem>> -> memref<1x128xi32, #tpu.memory_space<vmem>>
      %dma_wait3A_336 = tpu.memref_squeeze %dma_wait3A_335 : memref<1x128xi32, #tpu.memory_space<vmem>> -> memref<128xi32, #tpu.memory_space<vmem>>
      %dma_wait3A_337 = arith.constant 0 : i32
      %dma_wait3A_338 = tpu.memref_slice %arg11[%dma_wait3A_337] : memref<8192xf32, #tpu.memory_space<vmem_shared>> -> memref<8192xf32, #tpu.memory_space<vmem_shared>>
      tpu.wait_indirect_dma semaphore(%run_scoped3A_328 : memref<!tpu.dma_semaphore, #tpu.memory_space<semaphore_mem>>) src(%arg10 : memref<128xf32, #tpu.memory_space<vmem>>) dst(%dma_wait3A_338 : memref<8192xf32, #tpu.memory_space<vmem_shared>>)
      tpu.yield
    }) : () -> ()
    %dma_wait3A_303 = arith.constant 14 : i32
    %dma_wait3A_304 = arith.constant 0 : i32
    %dma_wait3A_305 = tpu.memref_slice %arg7[%dma_wait3A_303, %dma_wait3A_304] : memref<16x128xi32, #tpu.memory_space<vmem>> -> memref<1x128xi32, #tpu.memory_space<vmem>>
    %dma_wait3A_306 = tpu.memref_squeeze %dma_wait3A_305 : memref<1x128xi32, #tpu.memory_space<vmem>> -> memref<128xi32, #tpu.memory_space<vmem>>
    %dma_wait3A_307 = arith.constant 0 : i32
    %dma_wait3A_308 = arith.constant 0 : i32
    %dma_wait3A_309 = tpu.memref_slice %arg3[%dma_wait3A_307, %dma_wait3A_308] : memref<8192x64xf32, #tpu.memory_space<hbm>> -> memref<8192x64xf32, #tpu.memory_space<hbm>>
    tpu.wait_indirect_dma semaphore(%arg12 : memref<!tpu.dma_semaphore, #tpu.memory_space<semaphore_mem>>) src(%dma_wait3A_309 : memref<8192x64xf32, #tpu.memory_space<hbm>>) dst(%arg8 : memref<128x64xf32, #tpu.memory_space<vmem>>)
    %add3A_310 = arith.constant 1792 : i32
    %add3A_311 = arith.addi %mul3A_4, %add3A_310 : i32
    "tpu.region"() ({
      %run_scoped3A_328 = tpu.sem_alloc : memref<!tpu.dma_semaphore, #tpu.memory_space<semaphore_mem>>
      %dma_start3A_329 = arith.constant 0 : i32
      %dma_start3A_330 = tpu.memref_slice %arg5[%add3A_311, %dma_start3A_329] : memref<65536x64xf32, #tpu.memory_space<hbm>> -> memref<128x64xf32, #tpu.memory_space<hbm>>
      %dma_start3A_331 = arith.constant 0 : i32
      %dma_start3A_332 = tpu.memref_slice %arg5[%add3A_311, %dma_start3A_331] : memref<65536x64xf32, #tpu.memory_space<hbm>> -> memref<128x64xf32, #tpu.memory_space<hbm>>
      tpu.enqueue_dma source(%arg8 : memref<128x64xf32, #tpu.memory_space<vmem>>) target(%dma_start3A_332 : memref<128x64xf32, #tpu.memory_space<hbm>>) target_semaphore(%run_scoped3A_328 : memref<!tpu.dma_semaphore, #tpu.memory_space<semaphore_mem>>)
      %dma_wait3A_333 = arith.constant 0 : i32
      %dma_wait3A_334 = tpu.memref_slice %arg5[%add3A_311, %dma_wait3A_333] : memref<65536x64xf32, #tpu.memory_space<hbm>> -> memref<128x64xf32, #tpu.memory_space<hbm>>
      %dma_wait3A_335 = arith.constant 0 : i32
      %dma_wait3A_336 = tpu.memref_slice %arg5[%add3A_311, %dma_wait3A_335] : memref<65536x64xf32, #tpu.memory_space<hbm>> -> memref<128x64xf32, #tpu.memory_space<hbm>>
      tpu.wait_dma2 semaphore(%run_scoped3A_328 : memref<!tpu.dma_semaphore, #tpu.memory_space<semaphore_mem>>) src(%arg8 : memref<128x64xf32, #tpu.memory_space<vmem>>) dst(%dma_wait3A_336 : memref<128x64xf32, #tpu.memory_space<hbm>>)
      tpu.yield
    }) : () -> ()
    %run_scoped3A_312 = arith.constant 15 : i32
    "tpu.region"() ({
      %run_scoped3A_328 = tpu.sem_alloc : memref<!tpu.dma_semaphore, #tpu.memory_space<semaphore_mem>>
      %dma_start3A_329 = arith.constant 0 : i32
      %dma_start3A_330 = tpu.memref_slice %arg7[%run_scoped3A_312, %dma_start3A_329] : memref<16x128xi32, #tpu.memory_space<vmem>> -> memref<1x128xi32, #tpu.memory_space<vmem>>
      %dma_start3A_331 = tpu.memref_squeeze %dma_start3A_330 : memref<1x128xi32, #tpu.memory_space<vmem>> -> memref<128xi32, #tpu.memory_space<vmem>>
      %dma_start3A_332 = arith.constant 0 : i32
      %dma_start3A_333 = tpu.memref_slice %arg11[%dma_start3A_332] : memref<8192xf32, #tpu.memory_space<vmem_shared>> -> memref<8192xf32, #tpu.memory_space<vmem_shared>>
      tpu.enqueue_indirect_dma source(%arg10 : memref<128xf32, #tpu.memory_space<vmem>>) target(%dma_start3A_333 : memref<8192xf32, #tpu.memory_space<vmem_shared>>) offsets(%dma_start3A_331 : memref<128xi32, #tpu.memory_space<vmem>>) semaphore(%run_scoped3A_328 : memref<!tpu.dma_semaphore, #tpu.memory_space<semaphore_mem>>) {add = true}
      %dma_wait3A_334 = arith.constant 0 : i32
      %dma_wait3A_335 = tpu.memref_slice %arg7[%run_scoped3A_312, %dma_wait3A_334] : memref<16x128xi32, #tpu.memory_space<vmem>> -> memref<1x128xi32, #tpu.memory_space<vmem>>
      %dma_wait3A_336 = tpu.memref_squeeze %dma_wait3A_335 : memref<1x128xi32, #tpu.memory_space<vmem>> -> memref<128xi32, #tpu.memory_space<vmem>>
      %dma_wait3A_337 = arith.constant 0 : i32
      %dma_wait3A_338 = tpu.memref_slice %arg11[%dma_wait3A_337] : memref<8192xf32, #tpu.memory_space<vmem_shared>> -> memref<8192xf32, #tpu.memory_space<vmem_shared>>
      tpu.wait_indirect_dma semaphore(%run_scoped3A_328 : memref<!tpu.dma_semaphore, #tpu.memory_space<semaphore_mem>>) src(%arg10 : memref<128xf32, #tpu.memory_space<vmem>>) dst(%dma_wait3A_338 : memref<8192xf32, #tpu.memory_space<vmem_shared>>)
      tpu.yield
    }) : () -> ()
    %dma_wait3A_313 = arith.constant 15 : i32
    %dma_wait3A_314 = arith.constant 0 : i32
    %dma_wait3A_315 = tpu.memref_slice %arg7[%dma_wait3A_313, %dma_wait3A_314] : memref<16x128xi32, #tpu.memory_space<vmem>> -> memref<1x128xi32, #tpu.memory_space<vmem>>
    %dma_wait3A_316 = tpu.memref_squeeze %dma_wait3A_315 : memref<1x128xi32, #tpu.memory_space<vmem>> -> memref<128xi32, #tpu.memory_space<vmem>>
    %dma_wait3A_317 = arith.constant 0 : i32
    %dma_wait3A_318 = arith.constant 0 : i32
    %dma_wait3A_319 = tpu.memref_slice %arg3[%dma_wait3A_317, %dma_wait3A_318] : memref<8192x64xf32, #tpu.memory_space<hbm>> -> memref<8192x64xf32, #tpu.memory_space<hbm>>
    tpu.wait_indirect_dma semaphore(%arg13 : memref<!tpu.dma_semaphore, #tpu.memory_space<semaphore_mem>>) src(%dma_wait3A_319 : memref<8192x64xf32, #tpu.memory_space<hbm>>) dst(%arg9 : memref<128x64xf32, #tpu.memory_space<vmem>>)
    %add3A_320 = arith.constant 1920 : i32
    %add3A_321 = arith.addi %mul3A_4, %add3A_320 : i32
    "tpu.region"() ({
      %run_scoped3A_328 = tpu.sem_alloc : memref<!tpu.dma_semaphore, #tpu.memory_space<semaphore_mem>>
      %dma_start3A_329 = arith.constant 0 : i32
      %dma_start3A_330 = tpu.memref_slice %arg5[%add3A_321, %dma_start3A_329] : memref<65536x64xf32, #tpu.memory_space<hbm>> -> memref<128x64xf32, #tpu.memory_space<hbm>>
      %dma_start3A_331 = arith.constant 0 : i32
      %dma_start3A_332 = tpu.memref_slice %arg5[%add3A_321, %dma_start3A_331] : memref<65536x64xf32, #tpu.memory_space<hbm>> -> memref<128x64xf32, #tpu.memory_space<hbm>>
      tpu.enqueue_dma source(%arg9 : memref<128x64xf32, #tpu.memory_space<vmem>>) target(%dma_start3A_332 : memref<128x64xf32, #tpu.memory_space<hbm>>) target_semaphore(%run_scoped3A_328 : memref<!tpu.dma_semaphore, #tpu.memory_space<semaphore_mem>>)
      %dma_wait3A_333 = arith.constant 0 : i32
      %dma_wait3A_334 = tpu.memref_slice %arg5[%add3A_321, %dma_wait3A_333] : memref<65536x64xf32, #tpu.memory_space<hbm>> -> memref<128x64xf32, #tpu.memory_space<hbm>>
      %dma_wait3A_335 = arith.constant 0 : i32
      %dma_wait3A_336 = tpu.memref_slice %arg5[%add3A_321, %dma_wait3A_335] : memref<65536x64xf32, #tpu.memory_space<hbm>> -> memref<128x64xf32, #tpu.memory_space<hbm>>
      tpu.wait_dma2 semaphore(%run_scoped3A_328 : memref<!tpu.dma_semaphore, #tpu.memory_space<semaphore_mem>>) src(%arg9 : memref<128x64xf32, #tpu.memory_space<vmem>>) dst(%dma_wait3A_336 : memref<128x64xf32, #tpu.memory_space<hbm>>)
      tpu.yield
    }) : () -> ()
    %barrier3A_322 = arith.constant 0 : index
    tpu.barrier barrier_id(%barrier3A_322)
    %eq3A_323 = arith.constant 0 : i32
    %eq3A_324 = arith.cmpi eq, %arg1, %eq3A_323 : i32
    %convert_element_type3A_325 = arith.extui %eq3A_324 : i1 to i32
    %cond3A_326 = arith.constant 0 : i32
    %cond3A_327 = arith.cmpi ne, %convert_element_type3A_325, %cond3A_326 : i32
    scf.if %cond3A_327 {
      "tpu.region"() ({
        %run_scoped3A_328 = tpu.sem_alloc : memref<!tpu.dma_semaphore, #tpu.memory_space<semaphore_mem>>
        %dma_start3A_329 = arith.constant 0 : i32
        %dma_start3A_330 = tpu.memref_slice %arg6[%arg0, %dma_start3A_329] : memref<2x8192xf32, #tpu.memory_space<hbm>> -> memref<1x8192xf32, #tpu.memory_space<hbm>>
        %dma_start3A_331 = tpu.memref_squeeze %dma_start3A_330 : memref<1x8192xf32, #tpu.memory_space<hbm>> -> memref<8192xf32, #tpu.memory_space<hbm>>
        tpu.enqueue_dma source(%arg11 : memref<8192xf32, #tpu.memory_space<vmem_shared>>) target(%dma_start3A_331 : memref<8192xf32, #tpu.memory_space<hbm>>) target_semaphore(%run_scoped3A_328 : memref<!tpu.dma_semaphore, #tpu.memory_space<semaphore_mem>>)
        %dma_wait3A_332 = arith.constant 0 : i32
        %dma_wait3A_333 = tpu.memref_slice %arg6[%arg0, %dma_wait3A_332] : memref<2x8192xf32, #tpu.memory_space<hbm>> -> memref<1x8192xf32, #tpu.memory_space<hbm>>
        %dma_wait3A_334 = tpu.memref_squeeze %dma_wait3A_333 : memref<1x8192xf32, #tpu.memory_space<hbm>> -> memref<8192xf32, #tpu.memory_space<hbm>>
        tpu.wait_dma2 semaphore(%run_scoped3A_328 : memref<!tpu.dma_semaphore, #tpu.memory_space<semaphore_mem>>) src(%arg11 : memref<8192xf32, #tpu.memory_space<vmem_shared>>) dst(%dma_wait3A_334 : memref<8192xf32, #tpu.memory_space<hbm>>)
        tpu.yield
      }) : () -> ()
    } else {
    }
    return
  }
}

module attributes {stable_mosaic.version = 14 : i64} {
  func.func @_dist_argmin_body(%arg0: i32, %arg1: memref<2048x64xf32, #tpu.memory_space<vmem>>, %arg2: memref<8192x64xf32, #tpu.memory_space<vmem>>, %arg3: memref<1x1x2048xi32, #tpu.memory_space<vmem>>, %arg4: memref<1x1xf32, #tpu.memory_space<vmem>>) attributes {dimension_semantics = [#tpu.dimension_semantics<arbitrary>], iteration_bounds = array<i64: 32>, scalar_prefetch = 0 : i64, scratch_operands = 0 : i64, tpu.core_type = #tpu.core_type<tc>, window_params = [{transform_indices = @transform_0, window_bounds = array<i64: 2048, 64>}, {pipeline_mode = #tpu.pipeline_mode<synchronous>, transform_indices = @transform_1, window_bounds = array<i64: 8192, 64>}, {transform_indices = @transform_2, window_bounds = array<i64: 1, 1, 2048>}, {pipeline_mode = #tpu.pipeline_mode<synchronous>, transform_indices = @transform_3, window_bounds = array<i64: 1, 1>}]} {
    %get3A = arith.constant 0 : index
    %get3A_0 = arith.constant 0 : index
    %get3A_1 = vector.load %arg1[%get3A, %get3A_0] : memref<2048x64xf32, #tpu.memory_space<vmem>>, vector<2048x64xf32>
    %mul3A = arith.mulf %get3A_1, %get3A_1 : vector<2048x64xf32>
    %reduce_sum3A = arith.constant dense<0.000000e+00> : vector<2048xf32>
    %reduce_sum3A_2 = vector.multi_reduction <add>, %mul3A, %reduce_sum3A [1] : vector<2048x64xf32> to vector<2048xf32>
    %broadcast_in_dim3A = vector.shape_cast %reduce_sum3A_2 : vector<2048xf32> to vector<2048x1xf32>
    %transpose3A = tpu.transpose %broadcast_in_dim3A, [1, 0] : vector<2048x1xf32> -> vector<1x2048xf32>
    %broadcast_in_dim3A_3 = arith.constant 0x7F800000 : f32
    %broadcast_in_dim3A_4 = vector.broadcast %broadcast_in_dim3A_3 : f32 to vector<1x2048xf32>
    %broadcast_in_dim3A_5 = arith.constant 0 : i32
    %broadcast_in_dim3A_6 = vector.broadcast %broadcast_in_dim3A_5 : i32 to vector<1x2048xi32>
    %broadcast_in_dim3A_7 = arith.constant 0 : i32
    %broadcast_in_dim3A_8 = vector.broadcast %broadcast_in_dim3A_7 : i32 to vector<1x2048xi32>
    %iota3A = tpu.iota {dimensions = array<i32: 0>} : vector<1024x2048xi32>
    %get3A_9 = arith.constant 0 : index
    %get3A_10 = arith.constant 0 : index
    %get3A_11 = vector.load %arg2[%get3A_9, %get3A_10] : memref<8192x64xf32, #tpu.memory_space<vmem>>, vector<1024x64xf32>
    %mul3A_12 = arith.mulf %get3A_11, %get3A_11 : vector<1024x64xf32>
    %reduce_sum3A_13 = arith.constant dense<0.000000e+00> : vector<1024xf32>
    %reduce_sum3A_14 = vector.multi_reduction <add>, %mul3A_12, %reduce_sum3A_13 [1] : vector<1024x64xf32> to vector<1024xf32>
    %broadcast_in_dim3A_15 = vector.shape_cast %reduce_sum3A_14 : vector<1024xf32> to vector<1024x1xf32>
    %mul3A_16 = arith.constant 2.500000e-01 : f32
    %mul3A_17 = vector.broadcast %mul3A_16 : f32 to vector<1024x1xf32>
    %mul3A_18 = arith.mulf %mul3A_17, %broadcast_in_dim3A_15 : vector<1024x1xf32>
    %dot_general3A = arith.constant dense<0.000000e+00> : vector<1024x2048xf32>
    %dot_general3A_19 = tpu.matmul %get3A_11, %get3A_1, %dot_general3A {dimension_numbers = #tpu.dot_dimension_numbers<[1], [1], [0], [0], [0, 0, 1, 0], [], []>, transpose_lhs_hint = false} : vector<1024x64xf32>, vector<2048x64xf32>, vector<1024x2048xf32> -> vector<1024x2048xf32>
    %add3A = vector.broadcast %transpose3A : vector<1x2048xf32> to vector<1024x2048xf32>
    %add3A_20 = arith.addf %add3A, %dot_general3A_19 : vector<1024x2048xf32>
    %add3A_21 = vector.broadcast %mul3A_18 : vector<1024x1xf32> to vector<1024x2048xf32>
    %add3A_22 = arith.addf %add3A_20, %add3A_21 : vector<1024x2048xf32>
    %reduce_min3A = arith.constant dense<0x7F800000> : vector<2048xf32>
    %reduce_min3A_23 = vector.multi_reduction <minimumf>, %add3A_22, %reduce_min3A [0] : vector<1024x2048xf32> to vector<2048xf32>
    %broadcast_in_dim3A_24 = vector.shape_cast %reduce_min3A_23 : vector<2048xf32> to vector<1x2048xf32>
    %eq3A = vector.broadcast %broadcast_in_dim3A_24 : vector<1x2048xf32> to vector<1024x2048xf32>
    %eq3A_25 = arith.cmpf oeq, %add3A_22, %eq3A : vector<1024x2048xf32>
    %jit3A = arith.constant 1073741824 : i32
    %broadcast_in_dim3A_26 = vector.broadcast %jit3A : i32 to vector<1024x2048xi32>
    %select_n3A = arith.select %eq3A_25, %iota3A, %broadcast_in_dim3A_26 : vector<1024x2048xi1>, vector<1024x2048xi32>
    %reduce_min3A_27 = arith.constant dense<2147483647> : vector<2048xi32>
    %reduce_min3A_28 = vector.multi_reduction <minsi>, %select_n3A, %reduce_min3A_27 [0] : vector<1024x2048xi32> to vector<2048xi32>
    %broadcast_in_dim3A_29 = vector.shape_cast %reduce_min3A_28 : vector<2048xi32> to vector<1x2048xi32>
    %lt3A = arith.cmpf olt, %broadcast_in_dim3A_24, %broadcast_in_dim3A_4 : vector<1x2048xf32>
    %select_n3A_30 = arith.select %lt3A, %broadcast_in_dim3A_24, %broadcast_in_dim3A_4 : vector<1x2048xi1>, vector<1x2048xf32>
    %select_n3A_31 = arith.select %lt3A, %broadcast_in_dim3A_29, %broadcast_in_dim3A_6 : vector<1x2048xi1>, vector<1x2048xi32>
    %broadcast_in_dim3A_32 = arith.constant 0 : i32
    %broadcast_in_dim3A_33 = vector.broadcast %broadcast_in_dim3A_32 : i32 to vector<1x2048xi32>
    %select_n3A_34 = arith.select %lt3A, %broadcast_in_dim3A_33, %broadcast_in_dim3A_8 : vector<1x2048xi1>, vector<1x2048xi32>
    %get3A_35 = arith.constant 1024 : index
    %get3A_36 = arith.constant 0 : index
    %get3A_37 = vector.load %arg2[%get3A_35, %get3A_36] : memref<8192x64xf32, #tpu.memory_space<vmem>>, vector<1024x64xf32>
    %mul3A_38 = arith.mulf %get3A_37, %get3A_37 : vector<1024x64xf32>
    %reduce_sum3A_39 = arith.constant dense<0.000000e+00> : vector<1024xf32>
    %reduce_sum3A_40 = vector.multi_reduction <add>, %mul3A_38, %reduce_sum3A_39 [1] : vector<1024x64xf32> to vector<1024xf32>
    %broadcast_in_dim3A_41 = vector.shape_cast %reduce_sum3A_40 : vector<1024xf32> to vector<1024x1xf32>
    %mul3A_42 = arith.constant 2.500000e-01 : f32
    %mul3A_43 = vector.broadcast %mul3A_42 : f32 to vector<1024x1xf32>
    %mul3A_44 = arith.mulf %mul3A_43, %broadcast_in_dim3A_41 : vector<1024x1xf32>
    %dot_general3A_45 = arith.constant dense<0.000000e+00> : vector<1024x2048xf32>
    %dot_general3A_46 = tpu.matmul %get3A_37, %get3A_1, %dot_general3A_45 {dimension_numbers = #tpu.dot_dimension_numbers<[1], [1], [0], [0], [0, 0, 1, 0], [], []>, transpose_lhs_hint = false} : vector<1024x64xf32>, vector<2048x64xf32>, vector<1024x2048xf32> -> vector<1024x2048xf32>
    %add3A_47 = vector.broadcast %transpose3A : vector<1x2048xf32> to vector<1024x2048xf32>
    %add3A_48 = arith.addf %add3A_47, %dot_general3A_46 : vector<1024x2048xf32>
    %add3A_49 = vector.broadcast %mul3A_44 : vector<1024x1xf32> to vector<1024x2048xf32>
    %add3A_50 = arith.addf %add3A_48, %add3A_49 : vector<1024x2048xf32>
    %reduce_min3A_51 = arith.constant dense<0x7F800000> : vector<2048xf32>
    %reduce_min3A_52 = vector.multi_reduction <minimumf>, %add3A_50, %reduce_min3A_51 [0] : vector<1024x2048xf32> to vector<2048xf32>
    %broadcast_in_dim3A_53 = vector.shape_cast %reduce_min3A_52 : vector<2048xf32> to vector<1x2048xf32>
    %eq3A_54 = vector.broadcast %broadcast_in_dim3A_53 : vector<1x2048xf32> to vector<1024x2048xf32>
    %eq3A_55 = arith.cmpf oeq, %add3A_50, %eq3A_54 : vector<1024x2048xf32>
    %jit3A_56 = arith.constant 1073741824 : i32
    %broadcast_in_dim3A_57 = vector.broadcast %jit3A_56 : i32 to vector<1024x2048xi32>
    %select_n3A_58 = arith.select %eq3A_55, %iota3A, %broadcast_in_dim3A_57 : vector<1024x2048xi1>, vector<1024x2048xi32>
    %reduce_min3A_59 = arith.constant dense<2147483647> : vector<2048xi32>
    %reduce_min3A_60 = vector.multi_reduction <minsi>, %select_n3A_58, %reduce_min3A_59 [0] : vector<1024x2048xi32> to vector<2048xi32>
    %broadcast_in_dim3A_61 = vector.shape_cast %reduce_min3A_60 : vector<2048xi32> to vector<1x2048xi32>
    %lt3A_62 = arith.cmpf olt, %broadcast_in_dim3A_53, %select_n3A_30 : vector<1x2048xf32>
    %select_n3A_63 = arith.select %lt3A_62, %broadcast_in_dim3A_53, %select_n3A_30 : vector<1x2048xi1>, vector<1x2048xf32>
    %select_n3A_64 = arith.select %lt3A_62, %broadcast_in_dim3A_61, %select_n3A_31 : vector<1x2048xi1>, vector<1x2048xi32>
    %broadcast_in_dim3A_65 = arith.constant 1 : i32
    %broadcast_in_dim3A_66 = vector.broadcast %broadcast_in_dim3A_65 : i32 to vector<1x2048xi32>
    %select_n3A_67 = arith.select %lt3A_62, %broadcast_in_dim3A_66, %select_n3A_34 : vector<1x2048xi1>, vector<1x2048xi32>
    %get3A_68 = arith.constant 2048 : index
    %get3A_69 = arith.constant 0 : index
    %get3A_70 = vector.load %arg2[%get3A_68, %get3A_69] : memref<8192x64xf32, #tpu.memory_space<vmem>>, vector<1024x64xf32>
    %mul3A_71 = arith.mulf %get3A_70, %get3A_70 : vector<1024x64xf32>
    %reduce_sum3A_72 = arith.constant dense<0.000000e+00> : vector<1024xf32>
    %reduce_sum3A_73 = vector.multi_reduction <add>, %mul3A_71, %reduce_sum3A_72 [1] : vector<1024x64xf32> to vector<1024xf32>
    %broadcast_in_dim3A_74 = vector.shape_cast %reduce_sum3A_73 : vector<1024xf32> to vector<1024x1xf32>
    %mul3A_75 = arith.constant 2.500000e-01 : f32
    %mul3A_76 = vector.broadcast %mul3A_75 : f32 to vector<1024x1xf32>
    %mul3A_77 = arith.mulf %mul3A_76, %broadcast_in_dim3A_74 : vector<1024x1xf32>
    %dot_general3A_78 = arith.constant dense<0.000000e+00> : vector<1024x2048xf32>
    %dot_general3A_79 = tpu.matmul %get3A_70, %get3A_1, %dot_general3A_78 {dimension_numbers = #tpu.dot_dimension_numbers<[1], [1], [0], [0], [0, 0, 1, 0], [], []>, transpose_lhs_hint = false} : vector<1024x64xf32>, vector<2048x64xf32>, vector<1024x2048xf32> -> vector<1024x2048xf32>
    %add3A_80 = vector.broadcast %transpose3A : vector<1x2048xf32> to vector<1024x2048xf32>
    %add3A_81 = arith.addf %add3A_80, %dot_general3A_79 : vector<1024x2048xf32>
    %add3A_82 = vector.broadcast %mul3A_77 : vector<1024x1xf32> to vector<1024x2048xf32>
    %add3A_83 = arith.addf %add3A_81, %add3A_82 : vector<1024x2048xf32>
    %reduce_min3A_84 = arith.constant dense<0x7F800000> : vector<2048xf32>
    %reduce_min3A_85 = vector.multi_reduction <minimumf>, %add3A_83, %reduce_min3A_84 [0] : vector<1024x2048xf32> to vector<2048xf32>
    %broadcast_in_dim3A_86 = vector.shape_cast %reduce_min3A_85 : vector<2048xf32> to vector<1x2048xf32>
    %eq3A_87 = vector.broadcast %broadcast_in_dim3A_86 : vector<1x2048xf32> to vector<1024x2048xf32>
    %eq3A_88 = arith.cmpf oeq, %add3A_83, %eq3A_87 : vector<1024x2048xf32>
    %jit3A_89 = arith.constant 1073741824 : i32
    %broadcast_in_dim3A_90 = vector.broadcast %jit3A_89 : i32 to vector<1024x2048xi32>
    %select_n3A_91 = arith.select %eq3A_88, %iota3A, %broadcast_in_dim3A_90 : vector<1024x2048xi1>, vector<1024x2048xi32>
    %reduce_min3A_92 = arith.constant dense<2147483647> : vector<2048xi32>
    %reduce_min3A_93 = vector.multi_reduction <minsi>, %select_n3A_91, %reduce_min3A_92 [0] : vector<1024x2048xi32> to vector<2048xi32>
    %broadcast_in_dim3A_94 = vector.shape_cast %reduce_min3A_93 : vector<2048xi32> to vector<1x2048xi32>
    %lt3A_95 = arith.cmpf olt, %broadcast_in_dim3A_86, %select_n3A_63 : vector<1x2048xf32>
    %select_n3A_96 = arith.select %lt3A_95, %broadcast_in_dim3A_86, %select_n3A_63 : vector<1x2048xi1>, vector<1x2048xf32>
    %select_n3A_97 = arith.select %lt3A_95, %broadcast_in_dim3A_94, %select_n3A_64 : vector<1x2048xi1>, vector<1x2048xi32>
    %broadcast_in_dim3A_98 = arith.constant 2 : i32
    %broadcast_in_dim3A_99 = vector.broadcast %broadcast_in_dim3A_98 : i32 to vector<1x2048xi32>
    %select_n3A_100 = arith.select %lt3A_95, %broadcast_in_dim3A_99, %select_n3A_67 : vector<1x2048xi1>, vector<1x2048xi32>
    %get3A_101 = arith.constant 3072 : index
    %get3A_102 = arith.constant 0 : index
    %get3A_103 = vector.load %arg2[%get3A_101, %get3A_102] : memref<8192x64xf32, #tpu.memory_space<vmem>>, vector<1024x64xf32>
    %mul3A_104 = arith.mulf %get3A_103, %get3A_103 : vector<1024x64xf32>
    %reduce_sum3A_105 = arith.constant dense<0.000000e+00> : vector<1024xf32>
    %reduce_sum3A_106 = vector.multi_reduction <add>, %mul3A_104, %reduce_sum3A_105 [1] : vector<1024x64xf32> to vector<1024xf32>
    %broadcast_in_dim3A_107 = vector.shape_cast %reduce_sum3A_106 : vector<1024xf32> to vector<1024x1xf32>
    %mul3A_108 = arith.constant 2.500000e-01 : f32
    %mul3A_109 = vector.broadcast %mul3A_108 : f32 to vector<1024x1xf32>
    %mul3A_110 = arith.mulf %mul3A_109, %broadcast_in_dim3A_107 : vector<1024x1xf32>
    %dot_general3A_111 = arith.constant dense<0.000000e+00> : vector<1024x2048xf32>
    %dot_general3A_112 = tpu.matmul %get3A_103, %get3A_1, %dot_general3A_111 {dimension_numbers = #tpu.dot_dimension_numbers<[1], [1], [0], [0], [0, 0, 1, 0], [], []>, transpose_lhs_hint = false} : vector<1024x64xf32>, vector<2048x64xf32>, vector<1024x2048xf32> -> vector<1024x2048xf32>
    %add3A_113 = vector.broadcast %transpose3A : vector<1x2048xf32> to vector<1024x2048xf32>
    %add3A_114 = arith.addf %add3A_113, %dot_general3A_112 : vector<1024x2048xf32>
    %add3A_115 = vector.broadcast %mul3A_110 : vector<1024x1xf32> to vector<1024x2048xf32>
    %add3A_116 = arith.addf %add3A_114, %add3A_115 : vector<1024x2048xf32>
    %reduce_min3A_117 = arith.constant dense<0x7F800000> : vector<2048xf32>
    %reduce_min3A_118 = vector.multi_reduction <minimumf>, %add3A_116, %reduce_min3A_117 [0] : vector<1024x2048xf32> to vector<2048xf32>
    %broadcast_in_dim3A_119 = vector.shape_cast %reduce_min3A_118 : vector<2048xf32> to vector<1x2048xf32>
    %eq3A_120 = vector.broadcast %broadcast_in_dim3A_119 : vector<1x2048xf32> to vector<1024x2048xf32>
    %eq3A_121 = arith.cmpf oeq, %add3A_116, %eq3A_120 : vector<1024x2048xf32>
    %jit3A_122 = arith.constant 1073741824 : i32
    %broadcast_in_dim3A_123 = vector.broadcast %jit3A_122 : i32 to vector<1024x2048xi32>
    %select_n3A_124 = arith.select %eq3A_121, %iota3A, %broadcast_in_dim3A_123 : vector<1024x2048xi1>, vector<1024x2048xi32>
    %reduce_min3A_125 = arith.constant dense<2147483647> : vector<2048xi32>
    %reduce_min3A_126 = vector.multi_reduction <minsi>, %select_n3A_124, %reduce_min3A_125 [0] : vector<1024x2048xi32> to vector<2048xi32>
    %broadcast_in_dim3A_127 = vector.shape_cast %reduce_min3A_126 : vector<2048xi32> to vector<1x2048xi32>
    %lt3A_128 = arith.cmpf olt, %broadcast_in_dim3A_119, %select_n3A_96 : vector<1x2048xf32>
    %select_n3A_129 = arith.select %lt3A_128, %broadcast_in_dim3A_119, %select_n3A_96 : vector<1x2048xi1>, vector<1x2048xf32>
    %select_n3A_130 = arith.select %lt3A_128, %broadcast_in_dim3A_127, %select_n3A_97 : vector<1x2048xi1>, vector<1x2048xi32>
    %broadcast_in_dim3A_131 = arith.constant 3 : i32
    %broadcast_in_dim3A_132 = vector.broadcast %broadcast_in_dim3A_131 : i32 to vector<1x2048xi32>
    %select_n3A_133 = arith.select %lt3A_128, %broadcast_in_dim3A_132, %select_n3A_100 : vector<1x2048xi1>, vector<1x2048xi32>
    %convert_element_type3A = arith.truncf %select_n3A_129 : vector<1x2048xf32> to vector<1x2048xbf16>
    %convert_element_type3A_134 = arith.extf %convert_element_type3A : vector<1x2048xbf16> to vector<1x2048xf32>
    %get3A_135 = arith.constant 4096 : index
    %get3A_136 = arith.constant 0 : index
    %get3A_137 = vector.load %arg2[%get3A_135, %get3A_136] : memref<8192x64xf32, #tpu.memory_space<vmem>>, vector<1024x64xf32>
    %mul3A_138 = arith.mulf %get3A_137, %get3A_137 : vector<1024x64xf32>
    %reduce_sum3A_139 = arith.constant dense<0.000000e+00> : vector<1024xf32>
    %reduce_sum3A_140 = vector.multi_reduction <add>, %mul3A_138, %reduce_sum3A_139 [1] : vector<1024x64xf32> to vector<1024xf32>
    %broadcast_in_dim3A_141 = vector.shape_cast %reduce_sum3A_140 : vector<1024xf32> to vector<1024x1xf32>
    %mul3A_142 = arith.constant 2.500000e-01 : f32
    %mul3A_143 = vector.broadcast %mul3A_142 : f32 to vector<1024x1xf32>
    %mul3A_144 = arith.mulf %mul3A_143, %broadcast_in_dim3A_141 : vector<1024x1xf32>
    %dot_general3A_145 = arith.constant dense<0.000000e+00> : vector<1024x2048xf32>
    %dot_general3A_146 = tpu.matmul %get3A_137, %get3A_1, %dot_general3A_145 {dimension_numbers = #tpu.dot_dimension_numbers<[1], [1], [0], [0], [0, 0, 1, 0], [], []>, transpose_lhs_hint = false} : vector<1024x64xf32>, vector<2048x64xf32>, vector<1024x2048xf32> -> vector<1024x2048xf32>
    %add3A_147 = vector.broadcast %transpose3A : vector<1x2048xf32> to vector<1024x2048xf32>
    %add3A_148 = arith.addf %add3A_147, %dot_general3A_146 : vector<1024x2048xf32>
    %add3A_149 = vector.broadcast %mul3A_144 : vector<1024x1xf32> to vector<1024x2048xf32>
    %add3A_150 = arith.addf %add3A_148, %add3A_149 : vector<1024x2048xf32>
    %reduce_min3A_151 = arith.constant dense<0x7F800000> : vector<2048xf32>
    %reduce_min3A_152 = vector.multi_reduction <minimumf>, %add3A_150, %reduce_min3A_151 [0] : vector<1024x2048xf32> to vector<2048xf32>
    %broadcast_in_dim3A_153 = vector.shape_cast %reduce_min3A_152 : vector<2048xf32> to vector<1x2048xf32>
    %eq3A_154 = vector.broadcast %broadcast_in_dim3A_153 : vector<1x2048xf32> to vector<1024x2048xf32>
    %eq3A_155 = arith.cmpf oeq, %add3A_150, %eq3A_154 : vector<1024x2048xf32>
    %jit3A_156 = arith.constant 1073741824 : i32
    %broadcast_in_dim3A_157 = vector.broadcast %jit3A_156 : i32 to vector<1024x2048xi32>
    %select_n3A_158 = arith.select %eq3A_155, %iota3A, %broadcast_in_dim3A_157 : vector<1024x2048xi1>, vector<1024x2048xi32>
    %reduce_min3A_159 = arith.constant dense<2147483647> : vector<2048xi32>
    %reduce_min3A_160 = vector.multi_reduction <minsi>, %select_n3A_158, %reduce_min3A_159 [0] : vector<1024x2048xi32> to vector<2048xi32>
    %broadcast_in_dim3A_161 = vector.shape_cast %reduce_min3A_160 : vector<2048xi32> to vector<1x2048xi32>
    %lt3A_162 = arith.cmpf olt, %broadcast_in_dim3A_153, %convert_element_type3A_134 : vector<1x2048xf32>
    %select_n3A_163 = arith.select %lt3A_162, %broadcast_in_dim3A_153, %convert_element_type3A_134 : vector<1x2048xi1>, vector<1x2048xf32>
    %select_n3A_164 = arith.select %lt3A_162, %broadcast_in_dim3A_161, %select_n3A_130 : vector<1x2048xi1>, vector<1x2048xi32>
    %broadcast_in_dim3A_165 = arith.constant 4 : i32
    %broadcast_in_dim3A_166 = vector.broadcast %broadcast_in_dim3A_165 : i32 to vector<1x2048xi32>
    %select_n3A_167 = arith.select %lt3A_162, %broadcast_in_dim3A_166, %select_n3A_133 : vector<1x2048xi1>, vector<1x2048xi32>
    %get3A_168 = arith.constant 5120 : index
    %get3A_169 = arith.constant 0 : index
    %get3A_170 = vector.load %arg2[%get3A_168, %get3A_169] : memref<8192x64xf32, #tpu.memory_space<vmem>>, vector<1024x64xf32>
    %mul3A_171 = arith.mulf %get3A_170, %get3A_170 : vector<1024x64xf32>
    %reduce_sum3A_172 = arith.constant dense<0.000000e+00> : vector<1024xf32>
    %reduce_sum3A_173 = vector.multi_reduction <add>, %mul3A_171, %reduce_sum3A_172 [1] : vector<1024x64xf32> to vector<1024xf32>
    %broadcast_in_dim3A_174 = vector.shape_cast %reduce_sum3A_173 : vector<1024xf32> to vector<1024x1xf32>
    %mul3A_175 = arith.constant 2.500000e-01 : f32
    %mul3A_176 = vector.broadcast %mul3A_175 : f32 to vector<1024x1xf32>
    %mul3A_177 = arith.mulf %mul3A_176, %broadcast_in_dim3A_174 : vector<1024x1xf32>
    %dot_general3A_178 = arith.constant dense<0.000000e+00> : vector<1024x2048xf32>
    %dot_general3A_179 = tpu.matmul %get3A_170, %get3A_1, %dot_general3A_178 {dimension_numbers = #tpu.dot_dimension_numbers<[1], [1], [0], [0], [0, 0, 1, 0], [], []>, transpose_lhs_hint = false} : vector<1024x64xf32>, vector<2048x64xf32>, vector<1024x2048xf32> -> vector<1024x2048xf32>
    %add3A_180 = vector.broadcast %transpose3A : vector<1x2048xf32> to vector<1024x2048xf32>
    %add3A_181 = arith.addf %add3A_180, %dot_general3A_179 : vector<1024x2048xf32>
    %add3A_182 = vector.broadcast %mul3A_177 : vector<1024x1xf32> to vector<1024x2048xf32>
    %add3A_183 = arith.addf %add3A_181, %add3A_182 : vector<1024x2048xf32>
    %reduce_min3A_184 = arith.constant dense<0x7F800000> : vector<2048xf32>
    %reduce_min3A_185 = vector.multi_reduction <minimumf>, %add3A_183, %reduce_min3A_184 [0] : vector<1024x2048xf32> to vector<2048xf32>
    %broadcast_in_dim3A_186 = vector.shape_cast %reduce_min3A_185 : vector<2048xf32> to vector<1x2048xf32>
    %eq3A_187 = vector.broadcast %broadcast_in_dim3A_186 : vector<1x2048xf32> to vector<1024x2048xf32>
    %eq3A_188 = arith.cmpf oeq, %add3A_183, %eq3A_187 : vector<1024x2048xf32>
    %jit3A_189 = arith.constant 1073741824 : i32
    %broadcast_in_dim3A_190 = vector.broadcast %jit3A_189 : i32 to vector<1024x2048xi32>
    %select_n3A_191 = arith.select %eq3A_188, %iota3A, %broadcast_in_dim3A_190 : vector<1024x2048xi1>, vector<1024x2048xi32>
    %reduce_min3A_192 = arith.constant dense<2147483647> : vector<2048xi32>
    %reduce_min3A_193 = vector.multi_reduction <minsi>, %select_n3A_191, %reduce_min3A_192 [0] : vector<1024x2048xi32> to vector<2048xi32>
    %broadcast_in_dim3A_194 = vector.shape_cast %reduce_min3A_193 : vector<2048xi32> to vector<1x2048xi32>
    %lt3A_195 = arith.cmpf olt, %broadcast_in_dim3A_186, %select_n3A_163 : vector<1x2048xf32>
    %select_n3A_196 = arith.select %lt3A_195, %broadcast_in_dim3A_186, %select_n3A_163 : vector<1x2048xi1>, vector<1x2048xf32>
    %select_n3A_197 = arith.select %lt3A_195, %broadcast_in_dim3A_194, %select_n3A_164 : vector<1x2048xi1>, vector<1x2048xi32>
    %broadcast_in_dim3A_198 = arith.constant 5 : i32
    %broadcast_in_dim3A_199 = vector.broadcast %broadcast_in_dim3A_198 : i32 to vector<1x2048xi32>
    %select_n3A_200 = arith.select %lt3A_195, %broadcast_in_dim3A_199, %select_n3A_167 : vector<1x2048xi1>, vector<1x2048xi32>
    %get3A_201 = arith.constant 6144 : index
    %get3A_202 = arith.constant 0 : index
    %get3A_203 = vector.load %arg2[%get3A_201, %get3A_202] : memref<8192x64xf32, #tpu.memory_space<vmem>>, vector<1024x64xf32>
    %mul3A_204 = arith.mulf %get3A_203, %get3A_203 : vector<1024x64xf32>
    %reduce_sum3A_205 = arith.constant dense<0.000000e+00> : vector<1024xf32>
    %reduce_sum3A_206 = vector.multi_reduction <add>, %mul3A_204, %reduce_sum3A_205 [1] : vector<1024x64xf32> to vector<1024xf32>
    %broadcast_in_dim3A_207 = vector.shape_cast %reduce_sum3A_206 : vector<1024xf32> to vector<1024x1xf32>
    %mul3A_208 = arith.constant 2.500000e-01 : f32
    %mul3A_209 = vector.broadcast %mul3A_208 : f32 to vector<1024x1xf32>
    %mul3A_210 = arith.mulf %mul3A_209, %broadcast_in_dim3A_207 : vector<1024x1xf32>
    %dot_general3A_211 = arith.constant dense<0.000000e+00> : vector<1024x2048xf32>
    %dot_general3A_212 = tpu.matmul %get3A_203, %get3A_1, %dot_general3A_211 {dimension_numbers = #tpu.dot_dimension_numbers<[1], [1], [0], [0], [0, 0, 1, 0], [], []>, transpose_lhs_hint = false} : vector<1024x64xf32>, vector<2048x64xf32>, vector<1024x2048xf32> -> vector<1024x2048xf32>
    %add3A_213 = vector.broadcast %transpose3A : vector<1x2048xf32> to vector<1024x2048xf32>
    %add3A_214 = arith.addf %add3A_213, %dot_general3A_212 : vector<1024x2048xf32>
    %add3A_215 = vector.broadcast %mul3A_210 : vector<1024x1xf32> to vector<1024x2048xf32>
    %add3A_216 = arith.addf %add3A_214, %add3A_215 : vector<1024x2048xf32>
    %reduce_min3A_217 = arith.constant dense<0x7F800000> : vector<2048xf32>
    %reduce_min3A_218 = vector.multi_reduction <minimumf>, %add3A_216, %reduce_min3A_217 [0] : vector<1024x2048xf32> to vector<2048xf32>
    %broadcast_in_dim3A_219 = vector.shape_cast %reduce_min3A_218 : vector<2048xf32> to vector<1x2048xf32>
    %eq3A_220 = vector.broadcast %broadcast_in_dim3A_219 : vector<1x2048xf32> to vector<1024x2048xf32>
    %eq3A_221 = arith.cmpf oeq, %add3A_216, %eq3A_220 : vector<1024x2048xf32>
    %jit3A_222 = arith.constant 1073741824 : i32
    %broadcast_in_dim3A_223 = vector.broadcast %jit3A_222 : i32 to vector<1024x2048xi32>
    %select_n3A_224 = arith.select %eq3A_221, %iota3A, %broadcast_in_dim3A_223 : vector<1024x2048xi1>, vector<1024x2048xi32>
    %reduce_min3A_225 = arith.constant dense<2147483647> : vector<2048xi32>
    %reduce_min3A_226 = vector.multi_reduction <minsi>, %select_n3A_224, %reduce_min3A_225 [0] : vector<1024x2048xi32> to vector<2048xi32>
    %broadcast_in_dim3A_227 = vector.shape_cast %reduce_min3A_226 : vector<2048xi32> to vector<1x2048xi32>
    %lt3A_228 = arith.cmpf olt, %broadcast_in_dim3A_219, %select_n3A_196 : vector<1x2048xf32>
    %select_n3A_229 = arith.select %lt3A_228, %broadcast_in_dim3A_219, %select_n3A_196 : vector<1x2048xi1>, vector<1x2048xf32>
    %select_n3A_230 = arith.select %lt3A_228, %broadcast_in_dim3A_227, %select_n3A_197 : vector<1x2048xi1>, vector<1x2048xi32>
    %broadcast_in_dim3A_231 = arith.constant 6 : i32
    %broadcast_in_dim3A_232 = vector.broadcast %broadcast_in_dim3A_231 : i32 to vector<1x2048xi32>
    %select_n3A_233 = arith.select %lt3A_228, %broadcast_in_dim3A_232, %select_n3A_200 : vector<1x2048xi1>, vector<1x2048xi32>
    %get3A_234 = arith.constant 7168 : index
    %get3A_235 = arith.constant 0 : index
    %get3A_236 = vector.load %arg2[%get3A_234, %get3A_235] : memref<8192x64xf32, #tpu.memory_space<vmem>>, vector<1024x64xf32>
    %mul3A_237 = arith.mulf %get3A_236, %get3A_236 : vector<1024x64xf32>
    %reduce_sum3A_238 = arith.constant dense<0.000000e+00> : vector<1024xf32>
    %reduce_sum3A_239 = vector.multi_reduction <add>, %mul3A_237, %reduce_sum3A_238 [1] : vector<1024x64xf32> to vector<1024xf32>
    %broadcast_in_dim3A_240 = vector.shape_cast %reduce_sum3A_239 : vector<1024xf32> to vector<1024x1xf32>
    %mul3A_241 = arith.constant 2.500000e-01 : f32
    %mul3A_242 = vector.broadcast %mul3A_241 : f32 to vector<1024x1xf32>
    %mul3A_243 = arith.mulf %mul3A_242, %broadcast_in_dim3A_240 : vector<1024x1xf32>
    %dot_general3A_244 = arith.constant dense<0.000000e+00> : vector<1024x2048xf32>
    %dot_general3A_245 = tpu.matmul %get3A_236, %get3A_1, %dot_general3A_244 {dimension_numbers = #tpu.dot_dimension_numbers<[1], [1], [0], [0], [0, 0, 1, 0], [], []>, transpose_lhs_hint = false} : vector<1024x64xf32>, vector<2048x64xf32>, vector<1024x2048xf32> -> vector<1024x2048xf32>
    %add3A_246 = vector.broadcast %transpose3A : vector<1x2048xf32> to vector<1024x2048xf32>
    %add3A_247 = arith.addf %add3A_246, %dot_general3A_245 : vector<1024x2048xf32>
    %add3A_248 = vector.broadcast %mul3A_243 : vector<1024x1xf32> to vector<1024x2048xf32>
    %add3A_249 = arith.addf %add3A_247, %add3A_248 : vector<1024x2048xf32>
    %reduce_min3A_250 = arith.constant dense<0x7F800000> : vector<2048xf32>
    %reduce_min3A_251 = vector.multi_reduction <minimumf>, %add3A_249, %reduce_min3A_250 [0] : vector<1024x2048xf32> to vector<2048xf32>
    %broadcast_in_dim3A_252 = vector.shape_cast %reduce_min3A_251 : vector<2048xf32> to vector<1x2048xf32>
    %eq3A_253 = vector.broadcast %broadcast_in_dim3A_252 : vector<1x2048xf32> to vector<1024x2048xf32>
    %eq3A_254 = arith.cmpf oeq, %add3A_249, %eq3A_253 : vector<1024x2048xf32>
    %jit3A_255 = arith.constant 1073741824 : i32
    %broadcast_in_dim3A_256 = vector.broadcast %jit3A_255 : i32 to vector<1024x2048xi32>
    %select_n3A_257 = arith.select %eq3A_254, %iota3A, %broadcast_in_dim3A_256 : vector<1024x2048xi1>, vector<1024x2048xi32>
    %reduce_min3A_258 = arith.constant dense<2147483647> : vector<2048xi32>
    %reduce_min3A_259 = vector.multi_reduction <minsi>, %select_n3A_257, %reduce_min3A_258 [0] : vector<1024x2048xi32> to vector<2048xi32>
    %broadcast_in_dim3A_260 = vector.shape_cast %reduce_min3A_259 : vector<2048xi32> to vector<1x2048xi32>
    %lt3A_261 = arith.cmpf olt, %broadcast_in_dim3A_252, %select_n3A_229 : vector<1x2048xf32>
    %select_n3A_262 = arith.select %lt3A_261, %broadcast_in_dim3A_252, %select_n3A_229 : vector<1x2048xi1>, vector<1x2048xf32>
    %select_n3A_263 = arith.select %lt3A_261, %broadcast_in_dim3A_260, %select_n3A_230 : vector<1x2048xi1>, vector<1x2048xi32>
    %broadcast_in_dim3A_264 = arith.constant 7 : i32
    %broadcast_in_dim3A_265 = vector.broadcast %broadcast_in_dim3A_264 : i32 to vector<1x2048xi32>
    %select_n3A_266 = arith.select %lt3A_261, %broadcast_in_dim3A_265, %select_n3A_233 : vector<1x2048xi1>, vector<1x2048xi32>
    %mul3A_267 = arith.constant 1024 : i32
    %mul3A_268 = vector.broadcast %mul3A_267 : i32 to vector<1x2048xi32>
    %mul3A_269 = arith.muli %select_n3A_266, %mul3A_268 : vector<1x2048xi32>
    %add3A_270 = arith.addi %mul3A_269, %select_n3A_263 : vector<1x2048xi32>
    %reshape3A = vector.shape_cast %add3A_270 : vector<1x2048xi32> to vector<1x1x2048xi32>
    %swap3A = arith.constant 0 : index
    %swap3A_271 = arith.constant 0 : index
    %swap3A_272 = arith.constant 0 : index
    %swap3A_273 = vector.load %arg3[%swap3A, %swap3A_271, %swap3A_272] : memref<1x1x2048xi32, #tpu.memory_space<vmem>>, vector<1x1x2048xi32>
    tpu.vector_store %arg3[%swap3A, %swap3A_271, %swap3A_272], %reshape3A {strides = array<i32>} : memref<1x1x2048xi32, #tpu.memory_space<vmem>>, vector<1x1x2048xi32>,
    %reduce_sum3A_274 = vector.shape_cast %select_n3A_262 : vector<1x2048xf32> to vector<1x1x2048xf32>
    %reduce_sum3A_275 = arith.constant dense<0.000000e+00> : vector<1xf32>
    %reduce_sum3A_276 = vector.multi_reduction <add>, %reduce_sum3A_274, %reduce_sum3A_275 [1, 2] : vector<1x1x2048xf32> to vector<1xf32>
    %reduce_sum3A_277 = vector.shape_cast %reduce_sum3A_276 : vector<1xf32> to vector<1x1x1xf32>
    %reduce_sum3A_278 = vector.extract %reduce_sum3A_277[0, 0, 0] : f32 from vector<1x1x1xf32>
    %broadcast_in_dim3A_279 = vector.broadcast %reduce_sum3A_278 : f32 to vector<1x1xf32>
    %mul3A_280 = arith.constant 2.98023224E-7 : f32
    %mul3A_281 = vector.broadcast %mul3A_280 : f32 to vector<1x1xf32>
    %mul3A_282 = arith.mulf %broadcast_in_dim3A_279, %mul3A_281 : vector<1x1xf32>
    %eq3A_283 = arith.constant 0 : i32
    %eq3A_284 = arith.cmpi eq, %arg0, %eq3A_283 : i32
    %broadcast_in_dim3A_285 = arith.constant 0.000000e+00 : f32
    %broadcast_in_dim3A_286 = vector.broadcast %broadcast_in_dim3A_285 : f32 to vector<1x1xf32>
    %get3A_287 = arith.constant 0 : index
    %get3A_288 = arith.constant 0 : index
    %get3A_289 = vector.load %arg4[%get3A_287, %get3A_288] : memref<1x1xf32, #tpu.memory_space<vmem>>, vector<1x1xf32>
    %select_n3A_290 = arith.select %eq3A_284, %broadcast_in_dim3A_286, %get3A_289 : vector<1x1xf32>
    %add3A_291 = arith.addf %select_n3A_290, %mul3A_282 : vector<1x1xf32>
    %swap3A_292 = arith.constant 0 : index
    %swap3A_293 = arith.constant 0 : index
    %swap3A_294 = vector.load %arg4[%swap3A_292, %swap3A_293] : memref<1x1xf32, #tpu.memory_space<vmem>>, vector<1x1xf32>
    tpu.vector_store %arg4[%swap3A_292, %swap3A_293], %add3A_291 {strides = array<i32>} : memref<1x1xf32, #tpu.memory_space<vmem>>, vector<1x1xf32>,
    return
  }
  func.func @transform_0(%arg0: i32) -> (i32, i32) {
    %c0_i32 = arith.constant 0 : i32
    %c0_i32_0 = arith.constant 0 : i32
    return %arg0, %c0_i32 : i32, i32
  }
  func.func @transform_1(%arg0: i32) -> (i32, i32) {
    %c0_i32 = arith.constant 0 : i32
    %c0_i32_0 = arith.constant 0 : i32
    %c0_i32_1 = arith.constant 0 : i32
    return %c0_i32, %c0_i32_0 : i32, i32
  }
  func.func @transform_2(%arg0: i32) -> (i32, i32, i32) {
    %c0_i32 = arith.constant 0 : i32
    %c0_i32_0 = arith.constant 0 : i32
    %c0_i32_1 = arith.constant 0 : i32
    return %arg0, %c0_i32, %c0_i32_0 : i32, i32, i32
  }
  func.func @transform_3(%arg0: i32) -> (i32, i32) {
    %c0_i32 = arith.constant 0 : i32
    %c0_i32_0 = arith.constant 0 : i32
    %c0_i32_1 = arith.constant 0 : i32
    return %c0_i32, %c0_i32_0 : i32, i32
  }
}

module attributes {stable_mosaic.version = 14 : i64} {
  func.func @_perp_body(%arg0: memref<2x8192xf32, #tpu.memory_space<vmem>>, %arg1: memref<1x1xf32, #tpu.memory_space<vmem>>) attributes {dimension_semantics = [], scalar_prefetch = 0 : i64, scratch_operands = 0 : i64, tpu.core_type = #tpu.core_type<tc>} {
    %get3A = arith.constant 0 : index
    %get3A_0 = arith.constant 0 : index
    %get3A_1 = vector.load %arg0[%get3A, %get3A_0] : memref<2x8192xf32, #tpu.memory_space<vmem>>, vector<2x8192xf32>
    %slice3A = vector.extract_strided_slice %get3A_1 {offsets = [0, 0], sizes = [1, 8192], strides = [1, 1]} : vector<2x8192xf32> to vector<1x8192xf32>
    %slice3A_2 = vector.extract_strided_slice %get3A_1 {offsets = [1, 0], sizes = [1, 8192], strides = [1, 1]} : vector<2x8192xf32> to vector<1x8192xf32>
    %add3A = arith.addf %slice3A, %slice3A_2 : vector<1x8192xf32>
    %mul3A = arith.constant 1.52587891E-5 : f32
    %mul3A_3 = vector.broadcast %mul3A : f32 to vector<1x8192xf32>
    %mul3A_4 = arith.mulf %add3A, %mul3A_3 : vector<1x8192xf32>
    %add3A_5 = arith.constant 1.000000e-10 : f32
    %add3A_6 = vector.broadcast %add3A_5 : f32 to vector<1x8192xf32>
    %add3A_7 = arith.addf %mul3A_4, %add3A_6 : vector<1x8192xf32>
    %log3A = math.log %add3A_7 : vector<1x8192xf32>
    %mul3A_8 = arith.mulf %mul3A_4, %log3A : vector<1x8192xf32>
    %reduce_sum3A = vector.shape_cast %mul3A_8 : vector<1x8192xf32> to vector<1x1x8192xf32>
    %reduce_sum3A_9 = arith.constant dense<0.000000e+00> : vector<1xf32>
    %reduce_sum3A_10 = vector.multi_reduction <add>, %reduce_sum3A, %reduce_sum3A_9 [1, 2] : vector<1x1x8192xf32> to vector<1xf32>
    %reduce_sum3A_11 = vector.shape_cast %reduce_sum3A_10 : vector<1xf32> to vector<1x1x1xf32>
    %reduce_sum3A_12 = vector.extract %reduce_sum3A_11[0, 0, 0] : f32 from vector<1x1x1xf32>
    %broadcast_in_dim3A = vector.broadcast %reduce_sum3A_12 : f32 to vector<1x1xf32>
    %neg3A = arith.constant 0.000000e+00 : f32
    %neg3A_13 = vector.broadcast %neg3A : f32 to vector<1x1xf32>
    %neg3A_14 = arith.subf %neg3A_13, %broadcast_in_dim3A : vector<1x1xf32>
    %exp3A = math.exp %neg3A_14 : vector<1x1xf32>
    %swap3A = arith.constant 0 : index
    %swap3A_15 = arith.constant 0 : index
    %swap3A_16 = vector.load %arg1[%swap3A, %swap3A_15] : memref<1x1xf32, #tpu.memory_space<vmem>>, vector<1x1xf32>
    tpu.vector_store %arg1[%swap3A, %swap3A_15], %exp3A {strides = array<i32>} : memref<1x1xf32, #tpu.memory_space<vmem>>, vector<1x1xf32>,
    return
  }
}

</mosaic_0001>

<sc_bundles>
// kernel: kernel.5.cloned.1.call-start
scs
__scs_entry_jumppad:
0x0: {  	(pc) =	sbr.rel $0x88, $3  }
0x1: {  	(tag) =	ssettag $0x0;
	lr =	simm.s32 $0x1  }
0x2: {  	[smem:$0x3F9F] =	sst lr;
	_ =	strace $0xD0000000  }
0x3: {  	_ = 	snop  }
0x4: {  	_ = 	snop  }
0x5: {  	_ = 	snop  }
0x6: {  	_ = 	snop  }
0x7: {  	_ = 	snop  }
__scs_overlays_trampoline_lowered:
0x8: {  	[smem:$0x3FAE] =	sst s0  }
0x9: {  	[smem:$0x3FAF] =	sst s1  }
0xa: {  	[smem:$0x3FB0] =	sst s2  }
0xb: {  	[smem:$0x3FB1] =	sst s3  }
0xc: {  	[smem:$0x3FB2] =	sst s4  }
0xd: {  	[smem:$0x3FB3] =	sst s5  }
0xe: {  	[smem:$0x3FB4] =	sst s6  }
0xf: {  	[smem:$0x3FB5] =	sst s7  }
0x10: {  	[smem:$0x3FB6] =	sst s8  }
0x11: {  	[smem:$0x3FB7] =	sst s9;
	s0 =	simm.s32 @!p0 $0x0  }
0x12: {  	s1 =	sld [smem:$0x3F9D];
	s0 =	simm.s32 @p0 $0x1  }
0x13: {  	[smem:$0x3FB8] =	sst s0;
	s0 =	simm.s32 @!p1 $0x0  }
0x14: {  	s2 =	sld [smem:$0x3F9C];
	s0 =	simm.s32 @p1 $0x1  }
0x15: {  	[smem:$0x3FB9] =	sst s0;
	s0 =	simm.s32 @!p2 $0x0  }
0x16: {  	s3 =	sld [smem:$0x3FDB];
	s0 =	simm.s32 @p2 $0x1  }
0x17: {  	s4 =	simm.s32 $0x1BF5;
	[smem:$0x3FBB] =	sst s0  }
0x18: {  	s0 =	sld [smem:$0x3F9E];
	_ =	swait.ge [sflag:s4], $0x0  }
0x19: {  	s7 =	sld [smem:$0x3F9F]  }
0x1a: {  	s8 =	sadd.s32 $0xFFFFE003, lr  }
0x1b: {  	s9 =	sadd.s32 $0xFFFFFEF7, lr;
	s5 =	simm.s32 $0xFFFFFFFF;
	p2 =	slt.u32 s8, $0xFFFFF086  }
0x1c: {  	p1 =	slt.u32 s9, $0xF7A;
	s5 =	simm.s32 @!p2 $0x0  }
0x1d: {  	s5 =	simm.s32 @p1 $0x1;
	p0 =	seq.s32 s7, s2  }
0x1e: {  	s7 =	smul.u32 @!p0 $0xF7A, s2;
	p2 =	seq.s32 @!p0 s5, $0x0  }
0x1f: {  	s9 =	smul.u32 $0xF7A, s1;
	s8 =	simm.s32 @!p0 $0x1BF5;
	p2 =	por !p2, p0  }
0x20: {  	[sflag:s8] =	ssyncset.s32 @!p0 $0xFFFFF086;
	s6 =	sadd.s32 @!p0 s3, s7;
	s7 =	simm.s32 @!p0 $0x108  }
0x21: {  	s3 =	sadd.s32 s3, s9;
	s6 =	sadd.s32 @!p0 $0x88, s6;
	s7 =	simm.s32 @p2 $0x1082  }
0x22: {  	[simem:s7], [sflag:s8] =	dma.local @!p0 [hbm:s6], $0xF7A  }
0x23: {  	s9 =	sor.u32 $0xD0000000, s2;
	s6 =	simm.s32 $0x108;
	_ =	swait.ge @!p0 [sflag:s8], $0x0  }
0x24: {  	s3 =	sadd.s32 $0x88, s3;
	s6 =	simm.s32 @!p1 $0x1082;
	[sflag:s4] =	ssyncset.s32 $0xFFFFF086  }
0x25: {  	[simem:s6], [sflag:s4] =	dma.local [hbm:s3], $0xF7A  }
0x26: {  	[smem:$0x3F9F] =	sst s1;
	(tag) =	ssettag s2;
	_ =	strace s9  }
0x27: {  	s1 =	sld [smem:$0x3FAF]  }
0x28: {  	s2 =	sld [smem:$0x3FB0]  }
0x29: {  	s4 =	sld [smem:$0x3FB2]  }
0x2a: {  	p0 =	seq.s32 s5, $0x0;
	s5 =	sld [smem:$0x3FB3]  }
0x2b: {  	s6 =	sld [smem:$0x3FB4]  }
0x2c: {  	s7 =	sld [smem:$0x3FB5]  }
0x2d: {  	s3 =	simm.s32 $0x108;
	s8 =	sld [smem:$0x3FB6]  }
0x2e: {  	s3 =	simm.s32 @!p0 $0x1082;
	s9 =	sld [smem:$0x3FB7]  }
0x2f: {  	lr =	sadd.s32 s0, s3;
	s0 =	sld [smem:$0x3FAE]  }
0x30: {  	s3 =	sld [smem:$0x3FB1]  }
0x31: {  	[smem:$0x3FBA] =	sst s10  }
0x32: {  	s10 =	sld [smem:$0x3FB8];
	_ =	sdelay $0x3  }
0x33: {  	p0 =	seq.s32 s10, $0x1;
	s10 =	sld [smem:$0x3FBA];
	_ =	sdelay $0x3  }
0x34: {  	[smem:$0x3FBA] =	sst s10  }
0x35: {  	s10 =	sld [smem:$0x3FB9];
	_ =	sdelay $0x3  }
0x36: {  	p1 =	seq.s32 s10, $0x1;
	s10 =	sld [smem:$0x3FBA];
	_ =	sdelay $0x3  }
0x37: {  	[smem:$0x3FBA] =	sst s10  }
0x38: {  	s10 =	sld [smem:$0x3FBB]  }
0x39: {  	_ = 	snop;
	(pc) =	sbr.ind lr, $3  }
0x3a: {  	_ = 	snop  }
0x3b: {  	_ = 	snop  }
0x3c: {  	p2 =	seq.s32 s10, $0x1;
	s10 =	sld [smem:$0x3FBA]  }
0x3d: {  	_ =	shalt  }
0x3e: {  	_ =	shalt  }
0x3f: {  	_ =	shalt  }
0x40: {  	_ =	shalt  }
0x41: {  	_ =	shalt  }
0x42: {  	_ =	shalt  }
0x43: {  	_ =	shalt  }
0x44: {  	_ =	shalt  }
0x45: {  	_ =	shalt  }
0x46: {  	_ =	shalt  }
0x47: {  	_ =	shalt  }
0x48: {  	_ =	shalt  }
0x49: {  	_ =	shalt  }
0x4a: {  	_ =	shalt  }
0x4b: {  	_ =	shalt  }
0x4c: {  	_ =	shalt  }
0x4d: {  	_ =	shalt  }
0x4e: {  	_ =	shalt  }
0x4f: {  	_ =	shalt  }
0x50: {  	_ =	shalt  }
0x51: {  	_ =	shalt  }
0x52: {  	_ =	shalt  }
0x53: {  	_ =	shalt  }
0x54: {  	_ =	shalt  }
0x55: {  	_ =	shalt  }
0x56: {  	_ =	shalt  }
0x57: {  	_ =	shalt  }
0x58: {  	_ =	shalt  }
0x59: {  	_ =	shalt  }
0x5a: {  	_ =	shalt  }
0x5b: {  	_ =	shalt  }
0x5c: {  	_ =	shalt  }
0x5d: {  	_ =	shalt  }
0x5e: {  	_ =	shalt  }
0x5f: {  	_ =	shalt  }
0x60: {  	_ =	shalt  }
0x61: {  	_ =	shalt  }
0x62: {  	_ =	shalt  }
0x63: {  	_ =	shalt  }
0x64: {  	_ =	shalt  }
0x65: {  	_ =	shalt  }
0x66: {  	_ =	shalt  }
0x67: {  	_ =	shalt  }
0x68: {  	_ =	shalt  }
0x69: {  	_ =	shalt  }
0x6a: {  	_ =	shalt  }
0x6b: {  	_ =	shalt  }
0x6c: {  	_ =	shalt  }
0x6d: {  	_ =	shalt  }
0x6e: {  	_ =	shalt  }
0x6f: {  	_ =	shalt  }
0x70: {  	_ =	shalt  }
0x71: {  	_ =	shalt  }
0x72: {  	_ =	shalt  }
0x73: {  	_ =	shalt  }
0x74: {  	_ =	shalt  }
0x75: {  	_ =	shalt  }
0x76: {  	_ =	shalt  }
0x77: {  	_ =	shalt  }
0x78: {  	_ =	shalt  }
0x79: {  	_ =	shalt  }
0x7a: {  	_ =	shalt  }
0x7b: {  	_ =	shalt  }
0x7c: {  	_ =	shalt  }
0x7d: {  	_ =	shalt  }
0x7e: {  	_ =	shalt  }
0x7f: {  	_ =	shalt  }
0x80: {  	_ =	shalt  }
0x81: {  	_ =	shalt  }
0x82: {  	_ =	shalt  }
0x83: {  	_ =	shalt  }
0x84: {  	_ =	shalt  }
0x85: {  	_ =	shalt  }
0x86: {  	_ =	shalt  }
0x87: {  	_ =	shalt  }
.Lfunc_end0:
.L_simem_size_0:
called_computation_lowered:
.L_overlay_start_0:
0x88: {  	s2 =	sld [smem:$0x3FD9]  }
0x89: {  	s3 =	sld [smem:$0x3FFE];
	_ =	sdelay $0x1  }
0x8a: {  	s1 =	srdreg.scid  }
0x8b: {  	s0 =	sand.u32 $0x1, s1  }
0x8c: {  	s14 =	sshll.u32 s0, $0xA;
	s2 =	sadd.s32 s3, s2  }
0x8d: {  	s2 =	sadd.s32 s2, s14  }
0x8e: {  	[smem:$0x3FC6] =	sst s2  }
0x8f: {  	_ = 	snop  }
0x90: {  	s2 =	sld [smem:$0x3FD0];
	_ =	sdelay $0x2  }
0x91: {  	s15 =	simm.s32 $0xA;
	s4 =	simm.s32 $0x10  }
0x92: {  	[smem:s4], [sflag:s15] =	dma.local [hbm:s2], $0x1  }
0x93: {  	_ =	swait.eq [sflag:s15], $0x1  }
0x94: {  	[sflag:s15] =	ssyncset.done $0x0  }
0x95: {  	[sflag:s15] =	ssyncadd.s32 $0xFFFFFFFF  }
0x96: {  	s16 =	sld [smem:$0x10];
	(tm) =	ssettm $0x1  }
0x97: {  	s17 =	sld [smem:$0x3FFB];
	_ =	sdelay $0x3  }
0x98: {  	_ =	strace s17  }
0x99: {  	s3 =	sld [smem:$0x3FFC];
	_ =	sdelay $0x3  }
0x9a: {  	_ =	strace s3  }
0x9b: {  	s3 =	sld [smem:$0x3FFD];
	_ =	sdelay $0x3  }
0x9c: {  	_ =	strace s3  }
0x9d: {  	_ =	strace $0x8FFFFFFF  }
0x9e: {  	s18 =	sld [smem:$0x3FDB];
	_ =	sdelay $0x1  }
0x9f: {  	s19 =	simm.s32 $_scs_section_size  }
0xa0: {  	s5 =	simm.s32 $_size__tile_overlayer_lowered;
	s6 =	simm.s32 $_tile_overlayer_lowered  }
0xa1: {  	s22 =	simm.s32 $0x1BFF;
	s21 =	sshll.u32 s6, $0x1;
	s3 =	sadd.s32 s19, s18  }
0xa2: {  	s7 =	simm.s32 $0x0;
	s20 =	sshll.u32 s5, $0x1;
	s5 =	sadd.s32 s21, s3  }
0xa3: {  	[timem:s7], [sflag:s22] =	dma.local [hbm:s5], s20  }
0xa4: {  	_ =	swait.ge [sflag:s22], s20  }
0xa5: {  	s4 =	ssub.s32 $0x0, s20;
	[sflag:s22] =	ssyncset.done $0x0  }
0xa6: {  	[sflag:s22] =	ssyncadd.s32 s4;
	_ =	sdelay $0x1  }
0xa7: {  	s23 =	simm.s32 $0x1B8B  }
0xa8: {  	_ =	swait.ge [sflag:s23], $0x1  }
0xa9: {  	[sflag:s23] =	ssyncset.done $0x0  }
0xaa: {  	s25 =	simm.s32 $0x1B8E;
	s24 =	sld [smem:$0x3FFE];
	[sflag:s23] =	ssyncadd.s32 $0xFFFFFFFF  }
0xab: {  	s26 =	simm.s32 $execute0_lowered;
	[smem:$0x3FD2] =	sst s25  }
0xac: {  	s5 =	sshll.u32 s26, $0x1;
	_ =	strace $0x80000046;
	[dreg:$0x1] =	wrdreg $0xFFFFFFFF  }
0xad: {  	s28 =	simm.s32 $_size_execute0_lowered;
	s3 =	sadd.s32 s3, s5;
	[dreg:$0x0] =	wrdreg $0x0  }
0xae: {  	s5 =	sshll.u32 s28, $0x1;
	[dreg:$0x2] =	wrdreg s3  }
0xaf: {  	[dreg:$0x3] =	wrdreg s5  }
0xb0: {  	[dreg:$0x4] =	wrdreg $0xC0  }
0xb1: {  	_ =	task [dreg:s7], $0x5FFFF  }
0xb2: {  	[dreg:$0x1] =	wrdreg $0xFFFFFFFF  }
0xb3: {  	[dreg:$0x0] =	wrdreg $0x60  }
0xb4: {  	[dreg:$0x2] =	wrdreg s24  }
0xb5: {  	[dreg:$0x3] =	wrdreg s16  }
0xb6: {  	[dreg:$0x4] =	wrdreg $0x48800  }
0xb7: {  	[dreg:$0x5] =	wrdreg $0x9  }
0xb8: {  	_ =	task.clear_ibuf [dreg:s7], $0x6FFFF;
	_ =	strace $0x90000046  }
0xb9: {  	s29 =	simm.s32 $0x9;
	_ =	strace $0x80000048  }
0xba: {  	_ =	swait.ge [sflag:s29], $0x1  }
0xbb: {  	[sflag:s29] =	ssyncadd.s32 $0xFFFFFFFF  }
0xbc: {  	_ =	strace $0x90000048  }
0xbd: {  	_ =	sfence  }
0xbe: {  	s30 =	sld [smem:$0x0];
	_ =	sdelay $0x2  }
0xbf: {  	s31 =	sshll.u32 s1, $0xD;
	s1 =	sshrl.u32 s1, $0x2  }
0xc0: {  	s3 =	sand.u32 $0x4000, s31;
	s1 =	sadd.s32 s1, s30  }
0xc1: {  	s0 =	sor.u32 s3, s0;
	s1 =	sshll.u32 s1, $0x11  }
0xc2: {  	s0 =	sor.u32 s1, s0  }
0xc3: {  	s0 =	sadd.s32 $0x8F2B, s0  }
0xc4: {  	[sflag:s0] =	ssyncadd.remote.s32 $0x1  }
0xc5: {  	_ =	sfence.sel $0xFFFF  }
0xc6: {  	[dreg:$0x0] =	wrdreg $0xFFFFFFFF;
	(pc) =	sbr.abs _section_cstart, $3  }
0xc7: {  	[dreg:$0x1] =	wrdreg $0xFFFFFFFF  }
0xc8: {  	_ =	task.clear_ibuf [dreg:s7], $0x2FFFF;
	_ =	strace $0x9FFFFFFF  }
0xc9: {  	(tm) =	ssettm $0x7FFFFFFF  }
tec
execute0_lowered:
.L_overlay_start_1:
0x0: {  	(tag) =	ssettag $0x1  }
0x1: {  	s0 =	rddreg [dreg:$0x0]  }
0x2: {  	s3 =	rddreg [dreg:$0x1]  }
0x3: {  	s1 =	rddreg [dreg:$0x2]  }
0x4: {  	s4 =	srdreg.scid;
	s5 =	stileid.u32  }
0x5: {  	s2 =	simm.s32 $0x0;
	s30 =	sand.u32 $0x1, s4;
	s12 =	sshll.u32 s5, $0x1  }
0x6: {  	[smem:$0x7FF] =	sst s2;
	s4 =	sor.u32 s30, s12  }
0x7: {  	s7 =	sadd.s32 $0x12C00, s0;
	[dreg:$0x15] =	wrdreg s30;
	s6 =	sshll.u32 s4, $0x8  }
0x8: {  	_ =	strace $0x80000047;
	s4 =	sshll.u32 s4, $0xE;
	s6 =	sadd.s32 s6, s0  }
0x9: {  	[dreg:$0x4] =	wrdreg s7;
	s3 =	sadd.s32 s3, s4;
	s6 =	sadd.s32 $0x10C00, s6  }
0xa: {  	s4 =	sadd.s32 $0x400, s3;
	[dreg:$0x5] =	wrdreg s6  }
0xb: {  	s13 =	sadd.s32 $0x800, s3;
	[dreg:$0x6] =	wrdreg s4  }
0xc: {  	s14 =	sadd.s32 $0xC00, s3;
	[dreg:$0x7] =	wrdreg s13  }
0xd: {  	s15 =	sadd.s32 $0x1000, s3;
	[dreg:$0x8] =	wrdreg s14  }
0xe: {  	s16 =	sadd.s32 $0x1400, s3;
	[dreg:$0x9] =	wrdreg s15  }
0xf: {  	s17 =	sadd.s32 $0x1800, s3;
	[dreg:$0xa] =	wrdreg s16  }
0x10: {  	s18 =	sadd.s32 $0x1C00, s3;
	[dreg:$0xb] =	wrdreg s17  }
0x11: {  	s19 =	sadd.s32 $0x2000, s3;
	[dreg:$0xc] =	wrdreg s18  }
0x12: {  	s20 =	sadd.s32 $0x2400, s3;
	[dreg:$0xd] =	wrdreg s19  }
0x13: {  	s21 =	sadd.s32 $0x2800, s3;
	[dreg:$0xe] =	wrdreg s20  }
0x14: {  	s22 =	sadd.s32 $0x2C00, s3;
	[dreg:$0xf] =	wrdreg s21  }
0x15: {  	s23 =	sadd.s32 $0x3000, s3;
	[dreg:$0x10] =	wrdreg s22  }
0x16: {  	s24 =	sadd.s32 $0x3400, s3;
	[dreg:$0x11] =	wrdreg s23  }
0x17: {  	s25 =	sadd.s32 $0x3800, s3;
	[dreg:$0x12] =	wrdreg s24  }
0x18: {  	s26 =	sadd.s32 $0x3C00, s3;
	[dreg:$0x13] =	wrdreg s25  }
0x19: {  	[dreg:$0x14] =	wrdreg s26  }
0x1a: {  	s4 =	simm.s32 $0x3;
	s6 =	rddreg [dreg:$0x5]  }
0x1b: {  	[tilespmem:s2], [sflag:$0x3] =	stream.linear.gather [hbm4b:s6+s2], $0x800, $0x38;
	[tilespmem:$0x4A80] =	vst v63  }
0x1c: {  	_ =	swait.ge [sflag:s4], $0x800  }
0x1d: {  	[sflag:s4] =	ssyncset.done $0x0  }
0x1e: {  	v0 =	vimm.f32 $1.000000000e+00;
	[sflag:s4] =	ssyncadd.s32 $0xFFFFF800  }
0x1f: {  	[tilespmem:$0x4870] =	vst v0  }
0x20: {  	[tilespmem:$0x4860] =	vst v0  }
0x21: {  	[tilespmem:$0x4850] =	vst v0  }
0x22: {  	[tilespmem:$0x4840] =	vst v0  }
0x23: {  	[tilespmem:$0x4830] =	vst v0  }
0x24: {  	p0 =	sne.s32 s5, $0x0;
	[tilespmem:$0x4820] =	vst v0  }
0x25: {  	s5 =	sshrl.u32 @!p0 s1, $0x3;
	[tilespmem:$0x4800] =	vst v0  }
0x26: {  	s7 =	simm.s32 @!p0 $0x1C03;
	s6 =	simm.s32 @!p0 $0x3;
	s8 =	rddreg [dreg:$0x4];
	[tilespmem:$0x4810] =	vst v0  }
0x27: {  	[spmem:s5], [sflag:s7] =	dma.local @!p0 [hbm:s8], $0x400  }
0x28: {  	_ =	swait.ge @!p0 [sflag:s6], $0x400  }
0x29: {  	[sflag:s6] =	ssyncset.done @!p0 $0x0  }
0x2a: {  	s9 =	simm.s32 $0x80;
	[sflag:s6] =	ssyncadd.s32 @!p0 $0xFFFFFC00  }
0x2b: {  	s10 =	simm.s32 $0x800;
	s8 =	sadd.s32 $0xC00, s0;
	[bflag:$0x0] =	sbarrier.arrive $0xFFFF  }
0x2c: {  	[tilespmem:s10], [sflag:$0x1] =	stream.indirect.gather [hbm4b:s8+s9], $0x40, s2, s9, $0xb8;
	[tilespmem:$0x4A80] =	vst v63  }
0x2d: {  	s11 =	simm.s32 $0x2800  }
0x2e: {  	[tilespmem:s11], [sflag:$0x2] =	stream.indirect.gather [hbm4b:s8+s9], $0x40, s9, s9, $0xb8;
	[tilespmem:$0x4A80] =	vst v63  }
0x2f: {  	s12 =	simm.s32 $0x4800  }
0x30: {  	[spmem:s1] =	stream.indirect.scatter.add.f32 [tilespmem:s12], [sflag:$0x3], $0x1, s2, s9, $0xb8;
	[tilespmem:$0x4A80] =	vst v63  }
0x31: {  	_ =	swait.ge [sflag:s4], $0x80  }
0x32: {  	[sflag:s4] =	ssyncset.done $0x0  }
0x33: {  	s13 =	simm.s32 $0x1;
	[sflag:s4] =	ssyncadd.s32 $0xFFFFFF80  }
0x34: {  	_ =	swait.ge [sflag:s13], $0x2000  }
0x35: {  	[sflag:s13] =	ssyncset.done $0x0  }
0x36: {  	[sflag:s13] =	ssyncadd.s32 $0xFFFFE000  }
0x37: {  	[hbm4b:s3+s2] =	stream.linear.scatter [tilespmem:s10], [sflag:$0x3], $0x2000, $0x38;
	[tilespmem:$0x4A80] =	vst v63  }
0x38: {  	_ =	swait.ge [sflag:s4], $0x2000  }
0x39: {  	[sflag:s4] =	ssyncset.done $0x0  }
0x3a: {  	s14 =	simm.s32 $0x100;
	[sflag:s4] =	ssyncadd.s32 $0xFFFFE000  }
0x3b: {  	[tilespmem:s10], [sflag:$0x1] =	stream.indirect.gather [hbm4b:s8+s9], $0x40, s14, s9, $0xb8;
	[tilespmem:$0x4A80] =	vst v63  }
0x3c: {  	_ = 	snop  }
0x3d: {  	[spmem:s1] =	stream.indirect.scatter.add.f32 [tilespmem:s12], [sflag:$0x3], $0x1, s9, s9, $0xb8;
	[tilespmem:$0x4A80] =	vst v63  }
0x3e: {  	_ =	swait.ge [sflag:s4], $0x80  }
0x3f: {  	[sflag:s4] =	ssyncset.done $0x0  }
0x40: {  	s15 =	simm.s32 $0x2;
	[sflag:s4] =	ssyncadd.s32 $0xFFFFFF80  }
0x41: {  	_ =	swait.ge [sflag:s15], $0x2000  }
0x42: {  	[sflag:s15] =	ssyncset.done $0x0  }
0x43: {  	s16 =	rddreg [dreg:$0x6];
	[sflag:s15] =	ssyncadd.s32 $0xFFFFE000  }
0x44: {  	[hbm4b:s16+s2] =	stream.linear.scatter [tilespmem:s11], [sflag:$0x3], $0x2000, $0x38;
	[tilespmem:$0x4A80] =	vst v63  }
0x45: {  	_ =	swait.ge [sflag:s4], $0x2000  }
0x46: {  	[sflag:s4] =	ssyncset.done $0x0  }
0x47: {  	s16 =	simm.s32 $0x180;
	[sflag:s4] =	ssyncadd.s32 $0xFFFFE000  }
0x48: {  	[tilespmem:s11], [sflag:$0x2] =	stream.indirect.gather [hbm4b:s8+s9], $0x40, s16, s9, $0xb8;
	[tilespmem:$0x4A80] =	vst v63  }
0x49: {  	_ = 	snop  }
0x4a: {  	[spmem:s1] =	stream.indirect.scatter.add.f32 [tilespmem:s12], [sflag:$0x3], $0x1, s14, s9, $0xb8;
	[tilespmem:$0x4A80] =	vst v63  }
0x4b: {  	_ =	swait.ge [sflag:s4], $0x80  }
0x4c: {  	[sflag:s4] =	ssyncset.done $0x0  }
0x4d: {  	[sflag:s4] =	ssyncadd.s32 $0xFFFFFF80  }
0x4e: {  	_ =	swait.ge [sflag:s13], $0x2000  }
0x4f: {  	[sflag:s13] =	ssyncset.done $0x0  }
0x50: {  	s17 =	rddreg [dreg:$0x7];
	[sflag:s13] =	ssyncadd.s32 $0xFFFFE000  }
0x51: {  	[hbm4b:s17+s2] =	stream.linear.scatter [tilespmem:s10], [sflag:$0x3], $0x2000, $0x38;
	[tilespmem:$0x4A80] =	vst v63  }
0x52: {  	_ =	swait.ge [sflag:s4], $0x2000  }
0x53: {  	[sflag:s4] =	ssyncset.done $0x0  }
0x54: {  	s17 =	simm.s32 $0x200;
	[sflag:s4] =	ssyncadd.s32 $0xFFFFE000  }
0x55: {  	[tilespmem:s10], [sflag:$0x1] =	stream.indirect.gather [hbm4b:s8+s9], $0x40, s17, s9, $0xb8;
	[tilespmem:$0x4A80] =	vst v63  }
0x56: {  	_ = 	snop  }
0x57: {  	[spmem:s1] =	stream.indirect.scatter.add.f32 [tilespmem:s12], [sflag:$0x3], $0x1, s16, s9, $0xb8;
	[tilespmem:$0x4A80] =	vst v63  }
0x58: {  	_ =	swait.ge [sflag:s4], $0x80  }
0x59: {  	[sflag:s4] =	ssyncset.done $0x0  }
0x5a: {  	[sflag:s4] =	ssyncadd.s32 $0xFFFFFF80  }
0x5b: {  	_ =	swait.ge [sflag:s15], $0x2000  }
0x5c: {  	[sflag:s15] =	ssyncset.done $0x0  }
0x5d: {  	s18 =	rddreg [dreg:$0x8];
	[sflag:s15] =	ssyncadd.s32 $0xFFFFE000  }
0x5e: {  	[hbm4b:s18+s2] =	stream.linear.scatter [tilespmem:s11], [sflag:$0x3], $0x2000, $0x38;
	[tilespmem:$0x4A80] =	vst v63  }
0x5f: {  	_ =	swait.ge [sflag:s4], $0x2000  }
0x60: {  	[sflag:s4] =	ssyncset.done $0x0  }
0x61: {  	s18 =	simm.s32 $0x280;
	[sflag:s4] =	ssyncadd.s32 $0xFFFFE000  }
0x62: {  	[tilespmem:s11], [sflag:$0x2] =	stream.indirect.gather [hbm4b:s8+s9], $0x40, s18, s9, $0xb8;
	[tilespmem:$0x4A80] =	vst v63  }
0x63: {  	_ = 	snop  }
0x64: {  	[spmem:s1] =	stream.indirect.scatter.add.f32 [tilespmem:s12], [sflag:$0x3], $0x1, s17, s9, $0xb8;
	[tilespmem:$0x4A80] =	vst v63  }
0x65: {  	_ =	swait.ge [sflag:s4], $0x80  }
0x66: {  	[sflag:s4] =	ssyncset.done $0x0  }
0x67: {  	[sflag:s4] =	ssyncadd.s32 $0xFFFFFF80  }
0x68: {  	_ =	swait.ge [sflag:s13], $0x2000  }
0x69: {  	[sflag:s13] =	ssyncset.done $0x0  }
0x6a: {  	s19 =	rddreg [dreg:$0x9];
	[sflag:s13] =	ssyncadd.s32 $0xFFFFE000  }
0x6b: {  	[hbm4b:s19+s2] =	stream.linear.scatter [tilespmem:s10], [sflag:$0x3], $0x2000, $0x38;
	[tilespmem:$0x4A80] =	vst v63  }
0x6c: {  	_ =	swait.ge [sflag:s4], $0x2000  }
0x6d: {  	[sflag:s4] =	ssyncset.done $0x0  }
0x6e: {  	s19 =	simm.s32 $0x300;
	[sflag:s4] =	ssyncadd.s32 $0xFFFFE000  }
0x6f: {  	[tilespmem:s10], [sflag:$0x1] =	stream.indirect.gather [hbm4b:s8+s9], $0x40, s19, s9, $0xb8;
	[tilespmem:$0x4A80] =	vst v63  }
0x70: {  	_ = 	snop  }
0x71: {  	[spmem:s1] =	stream.indirect.scatter.add.f32 [tilespmem:s12], [sflag:$0x3], $0x1, s18, s9, $0xb8;
	[tilespmem:$0x4A80] =	vst v63  }
0x72: {  	_ =	swait.ge [sflag:s4], $0x80  }
0x73: {  	[sflag:s4] =	ssyncset.done $0x0  }
0x74: {  	[sflag:s4] =	ssyncadd.s32 $0xFFFFFF80  }
0x75: {  	_ =	swait.ge [sflag:s15], $0x2000  }
0x76: {  	[sflag:s15] =	ssyncset.done $0x0  }
0x77: {  	s20 =	rddreg [dreg:$0xa];
	[sflag:s15] =	ssyncadd.s32 $0xFFFFE000  }
0x78: {  	[hbm4b:s20+s2] =	stream.linear.scatter [tilespmem:s11], [sflag:$0x3], $0x2000, $0x38;
	[tilespmem:$0x4A80] =	vst v63  }
0x79: {  	_ =	swait.ge [sflag:s4], $0x2000  }
0x7a: {  	[sflag:s4] =	ssyncset.done $0x0  }
0x7b: {  	s20 =	simm.s32 $0x380;
	[sflag:s4] =	ssyncadd.s32 $0xFFFFE000  }
0x7c: {  	[tilespmem:s11], [sflag:$0x2] =	stream.indirect.gather [hbm4b:s8+s9], $0x40, s20, s9, $0xb8;
	[tilespmem:$0x4A80] =	vst v63  }
0x7d: {  	_ = 	snop  }
0x7e: {  	[spmem:s1] =	stream.indirect.scatter.add.f32 [tilespmem:s12], [sflag:$0x3], $0x1, s19, s9, $0xb8;
	[tilespmem:$0x4A80] =	vst v63  }
0x7f: {  	_ =	swait.ge [sflag:s4], $0x80  }
0x80: {  	[sflag:s4] =	ssyncset.done $0x0  }
0x81: {  	[sflag:s4] =	ssyncadd.s32 $0xFFFFFF80  }
0x82: {  	_ =	swait.ge [sflag:s13], $0x2000  }
0x83: {  	[sflag:s13] =	ssyncset.done $0x0  }
0x84: {  	s21 =	rddreg [dreg:$0xb];
	[sflag:s13] =	ssyncadd.s32 $0xFFFFE000  }
0x85: {  	[hbm4b:s21+s2] =	stream.linear.scatter [tilespmem:s10], [sflag:$0x3], $0x2000, $0x38;
	[tilespmem:$0x4A80] =	vst v63  }
0x86: {  	_ =	swait.ge [sflag:s4], $0x2000  }
0x87: {  	[sflag:s4] =	ssyncset.done $0x0  }
0x88: {  	s21 =	simm.s32 $0x400;
	[sflag:s4] =	ssyncadd.s32 $0xFFFFE000  }
0x89: {  	[tilespmem:s10], [sflag:$0x1] =	stream.indirect.gather [hbm4b:s8+s9], $0x40, s21, s9, $0xb8;
	[tilespmem:$0x4A80] =	vst v63  }
0x8a: {  	_ = 	snop  }
0x8b: {  	[spmem:s1] =	stream.indirect.scatter.add.f32 [tilespmem:s12], [sflag:$0x3], $0x1, s20, s9, $0xb8;
	[tilespmem:$0x4A80] =	vst v63  }
0x8c: {  	_ =	swait.ge [sflag:s4], $0x80  }
0x8d: {  	[sflag:s4] =	ssyncset.done $0x0  }
0x8e: {  	[sflag:s4] =	ssyncadd.s32 $0xFFFFFF80  }
0x8f: {  	_ =	swait.ge [sflag:s15], $0x2000  }
0x90: {  	[sflag:s15] =	ssyncset.done $0x0  }
0x91: {  	s22 =	rddreg [dreg:$0xc];
	[sflag:s15] =	ssyncadd.s32 $0xFFFFE000  }
0x92: {  	[hbm4b:s22+s2] =	stream.linear.scatter [tilespmem:s11], [sflag:$0x3], $0x2000, $0x38;
	[tilespmem:$0x4A80] =	vst v63  }
0x93: {  	_ =	swait.ge [sflag:s4], $0x2000  }
0x94: {  	[sflag:s4] =	ssyncset.done $0x0  }
0x95: {  	s22 =	simm.s32 $0x480;
	[sflag:s4] =	ssyncadd.s32 $0xFFFFE000  }
0x96: {  	[tilespmem:s11], [sflag:$0x2] =	stream.indirect.gather [hbm4b:s8+s9], $0x40, s22, s9, $0xb8;
	[tilespmem:$0x4A80] =	vst v63  }
0x97: {  	_ = 	snop  }
0x98: {  	[spmem:s1] =	stream.indirect.scatter.add.f32 [tilespmem:s12], [sflag:$0x3], $0x1, s21, s9, $0xb8;
	[tilespmem:$0x4A80] =	vst v63  }
0x99: {  	_ =	swait.ge [sflag:s4], $0x80  }
0x9a: {  	[sflag:s4] =	ssyncset.done $0x0  }
0x9b: {  	[sflag:s4] =	ssyncadd.s32 $0xFFFFFF80  }
0x9c: {  	_ =	swait.ge [sflag:s13], $0x2000  }
0x9d: {  	[sflag:s13] =	ssyncset.done $0x0  }
0x9e: {  	s23 =	rddreg [dreg:$0xd];
	[sflag:s13] =	ssyncadd.s32 $0xFFFFE000  }
0x9f: {  	[hbm4b:s23+s2] =	stream.linear.scatter [tilespmem:s10], [sflag:$0x3], $0x2000, $0x38;
	[tilespmem:$0x4A80] =	vst v63  }
0xa0: {  	_ =	swait.ge [sflag:s4], $0x2000  }
0xa1: {  	[sflag:s4] =	ssyncset.done $0x0  }
0xa2: {  	s23 =	simm.s32 $0x500;
	[sflag:s4] =	ssyncadd.s32 $0xFFFFE000  }
0xa3: {  	[tilespmem:s10], [sflag:$0x1] =	stream.indirect.gather [hbm4b:s8+s9], $0x40, s23, s9, $0xb8;
	[tilespmem:$0x4A80] =	vst v63  }
0xa4: {  	_ = 	snop  }
0xa5: {  	[spmem:s1] =	stream.indirect.scatter.add.f32 [tilespmem:s12], [sflag:$0x3], $0x1, s22, s9, $0xb8;
	[tilespmem:$0x4A80] =	vst v63  }
0xa6: {  	_ =	swait.ge [sflag:s4], $0x80  }
0xa7: {  	[sflag:s4] =	ssyncset.done $0x0  }
0xa8: {  	[sflag:s4] =	ssyncadd.s32 $0xFFFFFF80  }
0xa9: {  	_ =	swait.ge [sflag:s15], $0x2000  }
0xaa: {  	[sflag:s15] =	ssyncset.done $0x0  }
0xab: {  	s24 =	rddreg [dreg:$0xe];
	[sflag:s15] =	ssyncadd.s32 $0xFFFFE000  }
0xac: {  	[hbm4b:s24+s2] =	stream.linear.scatter [tilespmem:s11], [sflag:$0x3], $0x2000, $0x38;
	[tilespmem:$0x4A80] =	vst v63  }
0xad: {  	_ =	swait.ge [sflag:s4], $0x2000  }
0xae: {  	[sflag:s4] =	ssyncset.done $0x0  }
0xaf: {  	s24 =	simm.s32 $0x580;
	[sflag:s4] =	ssyncadd.s32 $0xFFFFE000  }
0xb0: {  	[tilespmem:s11], [sflag:$0x2] =	stream.indirect.gather [hbm4b:s8+s9], $0x40, s24, s9, $0xb8;
	[tilespmem:$0x4A80] =	vst v63  }
0xb1: {  	_ = 	snop  }
0xb2: {  	[spmem:s1] =	stream.indirect.scatter.add.f32 [tilespmem:s12], [sflag:$0x3], $0x1, s23, s9, $0xb8;
	[tilespmem:$0x4A80] =	vst v63  }
0xb3: {  	_ =	swait.ge [sflag:s4], $0x80  }
0xb4: {  	[sflag:s4] =	ssyncset.done $0x0  }
0xb5: {  	[sflag:s4] =	ssyncadd.s32 $0xFFFFFF80  }
0xb6: {  	_ =	swait.ge [sflag:s13], $0x2000  }
0xb7: {  	[sflag:s13] =	ssyncset.done $0x0  }
0xb8: {  	s25 =	rddreg [dreg:$0xf];
	[sflag:s13] =	ssyncadd.s32 $0xFFFFE000  }
0xb9: {  	[hbm4b:s25+s2] =	stream.linear.scatter [tilespmem:s10], [sflag:$0x3], $0x2000, $0x38;
	[tilespmem:$0x4A80] =	vst v63  }
0xba: {  	_ =	swait.ge [sflag:s4], $0x2000  }
0xbb: {  	[sflag:s4] =	ssyncset.done $0x0  }
0xbc: {  	s25 =	simm.s32 $0x600;
	[sflag:s4] =	ssyncadd.s32 $0xFFFFE000  }
0xbd: {  	[tilespmem:s10], [sflag:$0x1] =	stream.indirect.gather [hbm4b:s8+s9], $0x40, s25, s9, $0xb8;
	[tilespmem:$0x4A80] =	vst v63  }
0xbe: {  	_ = 	snop  }
0xbf: {  	[spmem:s1] =	stream.indirect.scatter.add.f32 [tilespmem:s12], [sflag:$0x3], $0x1, s24, s9, $0xb8;
	[tilespmem:$0x4A80] =	vst v63  }
0xc0: {  	_ =	swait.ge [sflag:s4], $0x80  }
0xc1: {  	[sflag:s4] =	ssyncset.done $0x0  }
0xc2: {  	[sflag:s4] =	ssyncadd.s32 $0xFFFFFF80  }
0xc3: {  	_ =	swait.ge [sflag:s15], $0x2000  }
0xc4: {  	[sflag:s15] =	ssyncset.done $0x0  }
0xc5: {  	s26 =	rddreg [dreg:$0x10];
	[sflag:s15] =	ssyncadd.s32 $0xFFFFE000  }
0xc6: {  	[hbm4b:s26+s2] =	stream.linear.scatter [tilespmem:s11], [sflag:$0x3], $0x2000, $0x38;
	[tilespmem:$0x4A80] =	vst v63  }
0xc7: {  	_ =	swait.ge [sflag:s4], $0x2000  }
0xc8: {  	[sflag:s4] =	ssyncset.done $0x0  }
0xc9: {  	s26 =	simm.s32 $0x680;
	[sflag:s4] =	ssyncadd.s32 $0xFFFFE000  }
0xca: {  	[tilespmem:s11], [sflag:$0x2] =	stream.indirect.gather [hbm4b:s8+s9], $0x40, s26, s9, $0xb8;
	[tilespmem:$0x4A80] =	vst v63  }
0xcb: {  	_ = 	snop  }
0xcc: {  	[spmem:s1] =	stream.indirect.scatter.add.f32 [tilespmem:s12], [sflag:$0x3], $0x1, s25, s9, $0xb8;
	[tilespmem:$0x4A80] =	vst v63  }
0xcd: {  	_ =	swait.ge [sflag:s4], $0x80  }
0xce: {  	[sflag:s4] =	ssyncset.done $0x0  }
0xcf: {  	[sflag:s4] =	ssyncadd.s32 $0xFFFFFF80  }
0xd0: {  	_ =	swait.ge [sflag:s13], $0x2000  }
0xd1: {  	[sflag:s13] =	ssyncset.done $0x0  }
0xd2: {  	s28 =	rddreg [dreg:$0x11];
	[sflag:s13] =	ssyncadd.s32 $0xFFFFE000  }
0xd3: {  	[hbm4b:s28+s2] =	stream.linear.scatter [tilespmem:s10], [sflag:$0x3], $0x2000, $0x38;
	[tilespmem:$0x4A80] =	vst v63  }
0xd4: {  	_ =	swait.ge [sflag:s4], $0x2000  }
0xd5: {  	[sflag:s4] =	ssyncset.done $0x0  }
0xd6: {  	s28 =	simm.s32 $0x700;
	[sflag:s4] =	ssyncadd.s32 $0xFFFFE000  }
0xd7: {  	[tilespmem:s10], [sflag:$0x1] =	stream.indirect.gather [hbm4b:s8+s9], $0x40, s28, s9, $0xb8;
	[tilespmem:$0x4A80] =	vst v63  }
0xd8: {  	_ = 	snop  }
0xd9: {  	[spmem:s1] =	stream.indirect.scatter.add.f32 [tilespmem:s12], [sflag:$0x3], $0x1, s26, s9, $0xb8;
	[tilespmem:$0x4A80] =	vst v63  }
0xda: {  	_ =	swait.ge [sflag:s4], $0x80  }
0xdb: {  	[sflag:s4] =	ssyncset.done $0x0  }
0xdc: {  	[sflag:s4] =	ssyncadd.s32 $0xFFFFFF80  }
0xdd: {  	_ =	swait.ge [sflag:s15], $0x2000  }
0xde: {  	[sflag:s15] =	ssyncset.done $0x0  }
0xdf: {  	s29 =	rddreg [dreg:$0x12];
	[sflag:s15] =	ssyncadd.s32 $0xFFFFE000  }
0xe0: {  	[hbm4b:s29+s2] =	stream.linear.scatter [tilespmem:s11], [sflag:$0x3], $0x2000, $0x38;
	[tilespmem:$0x4A80] =	vst v63  }
0xe1: {  	_ =	swait.ge [sflag:s4], $0x2000  }
0xe2: {  	[sflag:s4] =	ssyncset.done $0x0  }
0xe3: {  	s29 =	simm.s32 $0x780;
	[sflag:s4] =	ssyncadd.s32 $0xFFFFE000  }
0xe4: {  	[tilespmem:s11], [sflag:$0x2] =	stream.indirect.gather [hbm4b:s8+s9], $0x40, s29, s9, $0xb8;
	[tilespmem:$0x4A80] =	vst v63  }
0xe5: {  	_ = 	snop  }
0xe6: {  	[spmem:s1] =	stream.indirect.scatter.add.f32 [tilespmem:s12], [sflag:$0x3], $0x1, s28, s9, $0xb8;
	[tilespmem:$0x4A80] =	vst v63  }
0xe7: {  	_ =	swait.ge [sflag:s4], $0x80  }
0xe8: {  	[sflag:s4] =	ssyncset.done $0x0  }
0xe9: {  	[sflag:s4] =	ssyncadd.s32 $0xFFFFFF80  }
0xea: {  	_ =	swait.ge [sflag:s13], $0x2000  }
0xeb: {  	[sflag:s13] =	ssyncset.done $0x0  }
0xec: {  	s0 =	rddreg [dreg:$0x13];
	[sflag:s13] =	ssyncadd.s32 $0xFFFFE000  }
0xed: {  	[hbm4b:s0+s2] =	stream.linear.scatter [tilespmem:s10], [sflag:$0x3], $0x2000, $0x38;
	[tilespmem:$0x4A80] =	vst v63  }
0xee: {  	_ =	swait.ge [sflag:s4], $0x2000  }
0xef: {  	[sflag:s4] =	ssyncset.done $0x0  }
0xf0: {  	[sflag:s4] =	ssyncadd.s32 $0xFFFFE000  }
0xf1: {  	[spmem:s1] =	stream.indirect.scatter.add.f32 [tilespmem:s12], [sflag:$0x3], $0x1, s29, s9, $0xb8;
	[tilespmem:$0x4A80] =	vst v63  }
0xf2: {  	s0 =	ssub.s32 $0x2, s30;
	_ =	swait.ge [sflag:s4], $0x80  }
0xf3: {  	s31 =	sshrl.u32 s0, $0x1;
	[sflag:s4] =	ssyncset.done $0x0  }
0xf4: {  	s0 =	ssub.s32 s0, s31;
	[sflag:s4] =	ssyncadd.s32 $0xFFFFFF80  }
0xf5: {  	s0 =	smax.u32 s0, $0x1;
	_ =	swait.ge [sflag:s15], $0x2000  }
0xf6: {  	s31 =	sadd.s32 $0xFFFFFFFF, s0;
	[sflag:s15] =	ssyncset.done $0x0  }
0xf7: {  	p1 =	sne.s32 s31, $0x0;
	s30 =	rddreg [dreg:$0x14];
	[sflag:s15] =	ssyncadd.s32 $0xFFFFE000  }
0xf8: {  	[hbm4b:s30+s2] =	stream.linear.scatter [tilespmem:s11], [sflag:$0x3], $0x2000, $0x38;
	[tilespmem:$0x4A80] =	vst v63  }
.Ltmp0:
0xf9: {  	_ = 	snop;
	(pc) =	sbr.rel @!p1 .LBB2_2-.Ltmp0, $4  }
0xfa: {  	s30 =	rddreg [dreg:$0x15]  }
0xfb: {  	s0 =	rddreg [dreg:$0x0];
	s30 =	sshll.u32 s30, $0xA  }
0xfc: {  	s0 =	sadd.s32 s30, s0  }
0xfd: {  	s30 =	sadd.s32 $0x13000, s0  }
.LBB2_1:
0xfe: {  	_ =	swait.ge [sflag:s4], $0x2000  }
0xff: {  	[sflag:s4] =	ssyncset.done $0x0  }
0x100: {  	[sflag:s4] =	ssyncadd.s32 $0xFFFFE000  }
0x101: {  	[bflag:$0x0] =	sbarrier.arrive $0xFFFF  }
0x102: {  	[hbm:s30], [sflag:s7] =	dma.local @!p0 [spmem:s5], $0x400  }
0x103: {  	_ =	swait.ge @!p0 [sflag:s6], $0x400  }
0x104: {  	[sflag:s6] =	ssyncset.done @!p0 $0x0  }
0x105: {  	s0 =	rddreg [dreg:$0x5];
	[sflag:s6] =	ssyncadd.s32 @!p0 $0xFFFFFC00  }
0x106: {  	[tilespmem:s2], [sflag:$0x3] =	stream.linear.gather [hbm4b:s0+s2], $0x800, $0x38;
	[tilespmem:$0x4A80] =	vst v63  }
0x107: {  	_ =	swait.ge [sflag:s4], $0x800  }
0x108: {  	[sflag:s4] =	ssyncset.done $0x0  }
0x109: {  	[sflag:s4] =	ssyncadd.s32 $0xFFFFF800  }
0x10a: {  	[tilespmem:$0x4870] =	vst v0  }
0x10b: {  	[tilespmem:$0x4860] =	vst v0  }
0x10c: {  	[tilespmem:$0x4850] =	vst v0  }
0x10d: {  	[tilespmem:$0x4840] =	vst v0  }
0x10e: {  	[tilespmem:$0x4830] =	vst v0  }
0x10f: {  	[tilespmem:$0x4820] =	vst v0  }
0x110: {  	[tilespmem:$0x4800] =	vst v0  }
0x111: {  	s0 =	rddreg [dreg:$0x4];
	[tilespmem:$0x4810] =	vst v0  }
0x112: {  	[spmem:s5], [sflag:s7] =	dma.local @!p0 [hbm:s0], $0x400  }
0x113: {  	_ =	swait.ge @!p0 [sflag:s6], $0x400  }
0x114: {  	[sflag:s6] =	ssyncset.done @!p0 $0x0  }
0x115: {  	[sflag:s6] =	ssyncadd.s32 @!p0 $0xFFFFFC00  }
0x116: {  	[bflag:$0x0] =	sbarrier.arrive $0xFFFF  }
0x117: {  	[tilespmem:s10], [sflag:$0x1] =	stream.indirect.gather [hbm4b:s8+s9], $0x40, s2, s9, $0xb8;
	[tilespmem:$0x4A80] =	vst v63  }
0x118: {  	_ = 	snop  }
0x119: {  	[tilespmem:s11], [sflag:$0x2] =	stream.indirect.gather [hbm4b:s8+s9], $0x40, s9, s9, $0xb8;
	[tilespmem:$0x4A80] =	vst v63  }
0x11a: {  	_ = 	snop  }
0x11b: {  	[spmem:s1] =	stream.indirect.scatter.add.f32 [tilespmem:s12], [sflag:$0x3], $0x1, s2, s9, $0xb8;
	[tilespmem:$0x4A80] =	vst v63  }
0x11c: {  	_ =	swait.ge [sflag:s4], $0x80  }
0x11d: {  	[sflag:s4] =	ssyncset.done $0x0  }
0x11e: {  	[sflag:s4] =	ssyncadd.s32 $0xFFFFFF80  }
0x11f: {  	_ =	swait.ge [sflag:s13], $0x2000  }
0x120: {  	[sflag:s13] =	ssyncset.done $0x0  }
0x121: {  	[sflag:s13] =	ssyncadd.s32 $0xFFFFE000  }
0x122: {  	[hbm4b:s3+s2] =	stream.linear.scatter [tilespmem:s10], [sflag:$0x3], $0x2000, $0x38;
	[tilespmem:$0x4A80] =	vst v63  }
0x123: {  	_ =	swait.ge [sflag:s4], $0x2000  }
0x124: {  	[sflag:s4] =	ssyncset.done $0x0  }
0x125: {  	[sflag:s4] =	ssyncadd.s32 $0xFFFFE000  }
0x126: {  	[tilespmem:s10], [sflag:$0x1] =	stream.indirect.gather [hbm4b:s8+s9], $0x40, s14, s9, $0xb8;
	[tilespmem:$0x4A80] =	vst v63  }
0x127: {  	_ = 	snop  }
0x128: {  	[spmem:s1] =	stream.indirect.scatter.add.f32 [tilespmem:s12], [sflag:$0x3], $0x1, s9, s9, $0xb8;
	[tilespmem:$0x4A80] =	vst v63  }
0x129: {  	_ =	swait.ge [sflag:s4], $0x80  }
0x12a: {  	[sflag:s4] =	ssyncset.done $0x0  }
0x12b: {  	[sflag:s4] =	ssyncadd.s32 $0xFFFFFF80  }
0x12c: {  	_ =	swait.ge [sflag:s15], $0x2000  }
0x12d: {  	[sflag:s15] =	ssyncset.done $0x0  }
0x12e: {  	s0 =	rddreg [dreg:$0x6];
	[sflag:s15] =	ssyncadd.s32 $0xFFFFE000  }
0x12f: {  	[hbm4b:s0+s2] =	stream.linear.scatter [tilespmem:s11], [sflag:$0x3], $0x2000, $0x38;
	[tilespmem:$0x4A80] =	vst v63  }
0x130: {  	_ =	swait.ge [sflag:s4], $0x2000  }
0x131: {  	[sflag:s4] =	ssyncset.done $0x0  }
0x132: {  	[sflag:s4] =	ssyncadd.s32 $0xFFFFE000  }
0x133: {  	[tilespmem:s11], [sflag:$0x2] =	stream.indirect.gather [hbm4b:s8+s9], $0x40, s16, s9, $0xb8;
	[tilespmem:$0x4A80] =	vst v63  }
0x134: {  	_ = 	snop  }
0x135: {  	[spmem:s1] =	stream.indirect.scatter.add.f32 [tilespmem:s12], [sflag:$0x3], $0x1, s14, s9, $0xb8;
	[tilespmem:$0x4A80] =	vst v63  }
0x136: {  	_ =	swait.ge [sflag:s4], $0x80  }
0x137: {  	[sflag:s4] =	ssyncset.done $0x0  }
0x138: {  	[sflag:s4] =	ssyncadd.s32 $0xFFFFFF80  }
0x139: {  	_ =	swait.ge [sflag:s13], $0x2000  }
0x13a: {  	[sflag:s13] =	ssyncset.done $0x0  }
0x13b: {  	s0 =	rddreg [dreg:$0x7];
	[sflag:s13] =	ssyncadd.s32 $0xFFFFE000  }
0x13c: {  	[hbm4b:s0+s2] =	stream.linear.scatter [tilespmem:s10], [sflag:$0x3], $0x2000, $0x38;
	[tilespmem:$0x4A80] =	vst v63  }
0x13d: {  	_ =	swait.ge [sflag:s4], $0x2000  }
0x13e: {  	[sflag:s4] =	ssyncset.done $0x0  }
0x13f: {  	[sflag:s4] =	ssyncadd.s32 $0xFFFFE000  }
0x140: {  	[tilespmem:s10], [sflag:$0x1] =	stream.indirect.gather [hbm4b:s8+s9], $0x40, s17, s9, $0xb8;
	[tilespmem:$0x4A80] =	vst v63  }
0x141: {  	_ = 	snop  }
0x142: {  	[spmem:s1] =	stream.indirect.scatter.add.f32 [tilespmem:s12], [sflag:$0x3], $0x1, s16, s9, $0xb8;
	[tilespmem:$0x4A80] =	vst v63  }
0x143: {  	_ =	swait.ge [sflag:s4], $0x80  }
0x144: {  	[sflag:s4] =	ssyncset.done $0x0  }
0x145: {  	[sflag:s4] =	ssyncadd.s32 $0xFFFFFF80  }
0x146: {  	_ =	swait.ge [sflag:s15], $0x2000  }
0x147: {  	[sflag:s15] =	ssyncset.done $0x0  }
0x148: {  	s0 =	rddreg [dreg:$0x8];
	[sflag:s15] =	ssyncadd.s32 $0xFFFFE000  }
0x149: {  	[hbm4b:s0+s2] =	stream.linear.scatter [tilespmem:s11], [sflag:$0x3], $0x2000, $0x38;
	[tilespmem:$0x4A80] =	vst v63  }
0x14a: {  	_ =	swait.ge [sflag:s4], $0x2000  }
0x14b: {  	[sflag:s4] =	ssyncset.done $0x0  }
0x14c: {  	[sflag:s4] =	ssyncadd.s32 $0xFFFFE000  }
0x14d: {  	[tilespmem:s11], [sflag:$0x2] =	stream.indirect.gather [hbm4b:s8+s9], $0x40, s18, s9, $0xb8;
	[tilespmem:$0x4A80] =	vst v63  }
0x14e: {  	_ = 	snop  }
0x14f: {  	[spmem:s1] =	stream.indirect.scatter.add.f32 [tilespmem:s12], [sflag:$0x3], $0x1, s17, s9, $0xb8;
	[tilespmem:$0x4A80] =	vst v63  }
0x150: {  	_ =	swait.ge [sflag:s4], $0x80  }
0x151: {  	[sflag:s4] =	ssyncset.done $0x0  }
0x152: {  	[sflag:s4] =	ssyncadd.s32 $0xFFFFFF80  }
0x153: {  	_ =	swait.ge [sflag:s13], $0x2000  }
0x154: {  	[sflag:s13] =	ssyncset.done $0x0  }
0x155: {  	s0 =	rddreg [dreg:$0x9];
	[sflag:s13] =	ssyncadd.s32 $0xFFFFE000  }
0x156: {  	[hbm4b:s0+s2] =	stream.linear.scatter [tilespmem:s10], [sflag:$0x3], $0x2000, $0x38;
	[tilespmem:$0x4A80] =	vst v63  }
0x157: {  	_ =	swait.ge [sflag:s4], $0x2000  }
0x158: {  	[sflag:s4] =	ssyncset.done $0x0  }
0x159: {  	[sflag:s4] =	ssyncadd.s32 $0xFFFFE000  }
0x15a: {  	[tilespmem:s10], [sflag:$0x1] =	stream.indirect.gather [hbm4b:s8+s9], $0x40, s19, s9, $0xb8;
	[tilespmem:$0x4A80] =	vst v63  }
0x15b: {  	_ = 	snop  }
0x15c: {  	[spmem:s1] =	stream.indirect.scatter.add.f32 [tilespmem:s12], [sflag:$0x3], $0x1, s18, s9, $0xb8;
	[tilespmem:$0x4A80] =	vst v63  }
0x15d: {  	_ =	swait.ge [sflag:s4], $0x80  }
0x15e: {  	[sflag:s4] =	ssyncset.done $0x0  }
0x15f: {  	[sflag:s4] =	ssyncadd.s32 $0xFFFFFF80  }
0x160: {  	_ =	swait.ge [sflag:s15], $0x2000  }
0x161: {  	[sflag:s15] =	ssyncset.done $0x0  }
0x162: {  	s0 =	rddreg [dreg:$0xa];
	[sflag:s15] =	ssyncadd.s32 $0xFFFFE000  }
0x163: {  	[hbm4b:s0+s2] =	stream.linear.scatter [tilespmem:s11], [sflag:$0x3], $0x2000, $0x38;
	[tilespmem:$0x4A80] =	vst v63  }
0x164: {  	_ =	swait.ge [sflag:s4], $0x2000  }
0x165: {  	[sflag:s4] =	ssyncset.done $0x0  }
0x166: {  	[sflag:s4] =	ssyncadd.s32 $0xFFFFE000  }
0x167: {  	[tilespmem:s11], [sflag:$0x2] =	stream.indirect.gather [hbm4b:s8+s9], $0x40, s20, s9, $0xb8;
	[tilespmem:$0x4A80] =	vst v63  }
0x168: {  	_ = 	snop  }
0x169: {  	[spmem:s1] =	stream.indirect.scatter.add.f32 [tilespmem:s12], [sflag:$0x3], $0x1, s19, s9, $0xb8;
	[tilespmem:$0x4A80] =	vst v63  }
0x16a: {  	_ =	swait.ge [sflag:s4], $0x80  }
0x16b: {  	[sflag:s4] =	ssyncset.done $0x0  }
0x16c: {  	[sflag:s4] =	ssyncadd.s32 $0xFFFFFF80  }
0x16d: {  	_ =	swait.ge [sflag:s13], $0x2000  }
0x16e: {  	[sflag:s13] =	ssyncset.done $0x0  }
0x16f: {  	s0 =	rddreg [dreg:$0xb];
	[sflag:s13] =	ssyncadd.s32 $0xFFFFE000  }
0x170: {  	[hbm4b:s0+s2] =	stream.linear.scatter [tilespmem:s10], [sflag:$0x3], $0x2000, $0x38;
	[tilespmem:$0x4A80] =	vst v63  }
0x171: {  	_ =	swait.ge [sflag:s4], $0x2000  }
0x172: {  	[sflag:s4] =	ssyncset.done $0x0  }
0x173: {  	[sflag:s4] =	ssyncadd.s32 $0xFFFFE000  }
0x174: {  	[tilespmem:s10], [sflag:$0x1] =	stream.indirect.gather [hbm4b:s8+s9], $0x40, s21, s9, $0xb8;
	[tilespmem:$0x4A80] =	vst v63  }
0x175: {  	_ = 	snop  }
0x176: {  	[spmem:s1] =	stream.indirect.scatter.add.f32 [tilespmem:s12], [sflag:$0x3], $0x1, s20, s9, $0xb8;
	[tilespmem:$0x4A80] =	vst v63  }
0x177: {  	_ =	swait.ge [sflag:s4], $0x80  }
0x178: {  	[sflag:s4] =	ssyncset.done $0x0  }
0x179: {  	[sflag:s4] =	ssyncadd.s32 $0xFFFFFF80  }
0x17a: {  	_ =	swait.ge [sflag:s15], $0x2000  }
0x17b: {  	[sflag:s15] =	ssyncset.done $0x0  }
0x17c: {  	s0 =	rddreg [dreg:$0xc];
	[sflag:s15] =	ssyncadd.s32 $0xFFFFE000  }
0x17d: {  	[hbm4b:s0+s2] =	stream.linear.scatter [tilespmem:s11], [sflag:$0x3], $0x2000, $0x38;
	[tilespmem:$0x4A80] =	vst v63  }
0x17e: {  	_ =	swait.ge [sflag:s4], $0x2000  }
0x17f: {  	[sflag:s4] =	ssyncset.done $0x0  }
0x180: {  	[sflag:s4] =	ssyncadd.s32 $0xFFFFE000  }
0x181: {  	[tilespmem:s11], [sflag:$0x2] =	stream.indirect.gather [hbm4b:s8+s9], $0x40, s22, s9, $0xb8;
	[tilespmem:$0x4A80] =	vst v63  }
0x182: {  	_ = 	snop  }
0x183: {  	[spmem:s1] =	stream.indirect.scatter.add.f32 [tilespmem:s12], [sflag:$0x3], $0x1, s21, s9, $0xb8;
	[tilespmem:$0x4A80] =	vst v63  }
0x184: {  	_ =	swait.ge [sflag:s4], $0x80  }
0x185: {  	[sflag:s4] =	ssyncset.done $0x0  }
0x186: {  	[sflag:s4] =	ssyncadd.s32 $0xFFFFFF80  }
0x187: {  	_ =	swait.ge [sflag:s13], $0x2000  }
0x188: {  	[sflag:s13] =	ssyncset.done $0x0  }
0x189: {  	s0 =	rddreg [dreg:$0xd];
	[sflag:s13] =	ssyncadd.s32 $0xFFFFE000  }
0x18a: {  	[hbm4b:s0+s2] =	stream.linear.scatter [tilespmem:s10], [sflag:$0x3], $0x2000, $0x38;
	[tilespmem:$0x4A80] =	vst v63  }
0x18b: {  	_ =	swait.ge [sflag:s4], $0x2000  }
0x18c: {  	[sflag:s4] =	ssyncset.done $0x0  }
0x18d: {  	[sflag:s4] =	ssyncadd.s32 $0xFFFFE000  }
0x18e: {  	[tilespmem:s10], [sflag:$0x1] =	stream.indirect.gather [hbm4b:s8+s9], $0x40, s23, s9, $0xb8;
	[tilespmem:$0x4A80] =	vst v63  }
0x18f: {  	_ = 	snop  }
0x190: {  	[spmem:s1] =	stream.indirect.scatter.add.f32 [tilespmem:s12], [sflag:$0x3], $0x1, s22, s9, $0xb8;
	[tilespmem:$0x4A80] =	vst v63  }
0x191: {  	_ =	swait.ge [sflag:s4], $0x80  }
0x192: {  	[sflag:s4] =	ssyncset.done $0x0  }
0x193: {  	[sflag:s4] =	ssyncadd.s32 $0xFFFFFF80  }
0x194: {  	_ =	swait.ge [sflag:s15], $0x2000  }
0x195: {  	[sflag:s15] =	ssyncset.done $0x0  }
0x196: {  	s0 =	rddreg [dreg:$0xe];
	[sflag:s15] =	ssyncadd.s32 $0xFFFFE000  }
0x197: {  	[hbm4b:s0+s2] =	stream.linear.scatter [tilespmem:s11], [sflag:$0x3], $0x2000, $0x38;
	[tilespmem:$0x4A80] =	vst v63  }
0x198: {  	_ =	swait.ge [sflag:s4], $0x2000  }
0x199: {  	[sflag:s4] =	ssyncset.done $0x0  }
0x19a: {  	[sflag:s4] =	ssyncadd.s32 $0xFFFFE000  }
0x19b: {  	[tilespmem:s11], [sflag:$0x2] =	stream.indirect.gather [hbm4b:s8+s9], $0x40, s24, s9, $0xb8;
	[tilespmem:$0x4A80] =	vst v63  }
0x19c: {  	_ = 	snop  }
0x19d: {  	[spmem:s1] =	stream.indirect.scatter.add.f32 [tilespmem:s12], [sflag:$0x3], $0x1, s23, s9, $0xb8;
	[tilespmem:$0x4A80] =	vst v63  }
0x19e: {  	_ =	swait.ge [sflag:s4], $0x80  }
0x19f: {  	[sflag:s4] =	ssyncset.done $0x0  }
0x1a0: {  	[sflag:s4] =	ssyncadd.s32 $0xFFFFFF80  }
0x1a1: {  	_ =	swait.ge [sflag:s13], $0x2000  }
0x1a2: {  	[sflag:s13] =	ssyncset.done $0x0  }
0x1a3: {  	s0 =	rddreg [dreg:$0xf];
	[sflag:s13] =	ssyncadd.s32 $0xFFFFE000  }
0x1a4: {  	[hbm4b:s0+s2] =	stream.linear.scatter [tilespmem:s10], [sflag:$0x3], $0x2000, $0x38;
	[tilespmem:$0x4A80] =	vst v63  }
0x1a5: {  	_ =	swait.ge [sflag:s4], $0x2000  }
0x1a6: {  	[sflag:s4] =	ssyncset.done $0x0  }
0x1a7: {  	[sflag:s4] =	ssyncadd.s32 $0xFFFFE000  }
0x1a8: {  	[tilespmem:s10], [sflag:$0x1] =	stream.indirect.gather [hbm4b:s8+s9], $0x40, s25, s9, $0xb8;
	[tilespmem:$0x4A80] =	vst v63  }
0x1a9: {  	_ = 	snop  }
0x1aa: {  	[spmem:s1] =	stream.indirect.scatter.add.f32 [tilespmem:s12], [sflag:$0x3], $0x1, s24, s9, $0xb8;
	[tilespmem:$0x4A80] =	vst v63  }
0x1ab: {  	_ =	swait.ge [sflag:s4], $0x80  }
0x1ac: {  	[sflag:s4] =	ssyncset.done $0x0  }
0x1ad: {  	[sflag:s4] =	ssyncadd.s32 $0xFFFFFF80  }
0x1ae: {  	_ =	swait.ge [sflag:s15], $0x2000  }
0x1af: {  	[sflag:s15] =	ssyncset.done $0x0  }
0x1b0: {  	s0 =	rddreg [dreg:$0x10];
	[sflag:s15] =	ssyncadd.s32 $0xFFFFE000  }
0x1b1: {  	[hbm4b:s0+s2] =	stream.linear.scatter [tilespmem:s11], [sflag:$0x3], $0x2000, $0x38;
	[tilespmem:$0x4A80] =	vst v63  }
0x1b2: {  	_ =	swait.ge [sflag:s4], $0x2000  }
0x1b3: {  	[sflag:s4] =	ssyncset.done $0x0  }
0x1b4: {  	[sflag:s4] =	ssyncadd.s32 $0xFFFFE000  }
0x1b5: {  	[tilespmem:s11], [sflag:$0x2] =	stream.indirect.gather [hbm4b:s8+s9], $0x40, s26, s9, $0xb8;
	[tilespmem:$0x4A80] =	vst v63  }
0x1b6: {  	_ = 	snop  }
0x1b7: {  	[spmem:s1] =	stream.indirect.scatter.add.f32 [tilespmem:s12], [sflag:$0x3], $0x1, s25, s9, $0xb8;
	[tilespmem:$0x4A80] =	vst v63  }
0x1b8: {  	_ =	swait.ge [sflag:s4], $0x80  }
0x1b9: {  	[sflag:s4] =	ssyncset.done $0x0  }
0x1ba: {  	[sflag:s4] =	ssyncadd.s32 $0xFFFFFF80  }
0x1bb: {  	_ =	swait.ge [sflag:s13], $0x2000  }
0x1bc: {  	[sflag:s13] =	ssyncset.done $0x0  }
0x1bd: {  	s0 =	rddreg [dreg:$0x11];
	[sflag:s13] =	ssyncadd.s32 $0xFFFFE000  }
0x1be: {  	[hbm4b:s0+s2] =	stream.linear.scatter [tilespmem:s10], [sflag:$0x3], $0x2000, $0x38;
	[tilespmem:$0x4A80] =	vst v63  }
0x1bf: {  	_ =	swait.ge [sflag:s4], $0x2000  }
0x1c0: {  	[sflag:s4] =	ssyncset.done $0x0  }
0x1c1: {  	[sflag:s4] =	ssyncadd.s32 $0xFFFFE000  }
0x1c2: {  	[tilespmem:s10], [sflag:$0x1] =	stream.indirect.gather [hbm4b:s8+s9], $0x40, s28, s9, $0xb8;
	[tilespmem:$0x4A80] =	vst v63  }
0x1c3: {  	_ = 	snop  }
0x1c4: {  	[spmem:s1] =	stream.indirect.scatter.add.f32 [tilespmem:s12], [sflag:$0x3], $0x1, s26, s9, $0xb8;
	[tilespmem:$0x4A80] =	vst v63  }
0x1c5: {  	_ =	swait.ge [sflag:s4], $0x80  }
0x1c6: {  	[sflag:s4] =	ssyncset.done $0x0  }
0x1c7: {  	[sflag:s4] =	ssyncadd.s32 $0xFFFFFF80  }
0x1c8: {  	_ =	swait.ge [sflag:s15], $0x2000  }
0x1c9: {  	[sflag:s15] =	ssyncset.done $0x0  }
0x1ca: {  	s0 =	rddreg [dreg:$0x12];
	[sflag:s15] =	ssyncadd.s32 $0xFFFFE000  }
0x1cb: {  	[hbm4b:s0+s2] =	stream.linear.scatter [tilespmem:s11], [sflag:$0x3], $0x2000, $0x38;
	[tilespmem:$0x4A80] =	vst v63  }
0x1cc: {  	_ =	swait.ge [sflag:s4], $0x2000  }
0x1cd: {  	[sflag:s4] =	ssyncset.done $0x0  }
0x1ce: {  	[sflag:s4] =	ssyncadd.s32 $0xFFFFE000  }
0x1cf: {  	[tilespmem:s11], [sflag:$0x2] =	stream.indirect.gather [hbm4b:s8+s9], $0x40, s29, s9, $0xb8;
	[tilespmem:$0x4A80] =	vst v63  }
0x1d0: {  	_ = 	snop  }
0x1d1: {  	[spmem:s1] =	stream.indirect.scatter.add.f32 [tilespmem:s12], [sflag:$0x3], $0x1, s28, s9, $0xb8;
	[tilespmem:$0x4A80] =	vst v63  }
0x1d2: {  	_ =	swait.ge [sflag:s4], $0x80  }
0x1d3: {  	[sflag:s4] =	ssyncset.done $0x0  }
0x1d4: {  	[sflag:s4] =	ssyncadd.s32 $0xFFFFFF80  }
0x1d5: {  	_ =	swait.ge [sflag:s13], $0x2000  }
0x1d6: {  	[sflag:s13] =	ssyncset.done $0x0  }
0x1d7: {  	s0 =	rddreg [dreg:$0x13];
	[sflag:s13] =	ssyncadd.s32 $0xFFFFE000  }
0x1d8: {  	[hbm4b:s0+s2] =	stream.linear.scatter [tilespmem:s10], [sflag:$0x3], $0x2000, $0x38;
	[tilespmem:$0x4A80] =	vst v63  }
0x1d9: {  	_ =	swait.ge [sflag:s4], $0x2000  }
0x1da: {  	[sflag:s4] =	ssyncset.done $0x0  }
0x1db: {  	[sflag:s4] =	ssyncadd.s32 $0xFFFFE000  }
0x1dc: {  	[spmem:s1] =	stream.indirect.scatter.add.f32 [tilespmem:s12], [sflag:$0x3], $0x1, s29, s9, $0xb8;
	[tilespmem:$0x4A80] =	vst v63  }
0x1dd: {  	s31 =	sadd.s32 $0xFFFFFFFF, s31;
	_ =	swait.ge [sflag:s4], $0x80  }
0x1de: {  	p1 =	sne.s32 s31, $0x0;
	[sflag:s4] =	ssyncset.done $0x0  }
.Ltmp1:
0x1df: {  	[sflag:s4] =	ssyncadd.s32 $0xFFFFFF80;
	(pc) =	sbr.rel @p1 .LBB2_1-.Ltmp1, $4  }
0x1e0: {  	_ =	swait.ge [sflag:s15], $0x2000  }
0x1e1: {  	[sflag:s15] =	ssyncset.done $0x0  }
0x1e2: {  	s0 =	rddreg [dreg:$0x14];
	[sflag:s15] =	ssyncadd.s32 $0xFFFFE000  }
0x1e3: {  	[hbm4b:s0+s2] =	stream.linear.scatter [tilespmem:s11], [sflag:$0x3], $0x2000, $0x38;
	[tilespmem:$0x4A80] =	vst v63  }
.LBB2_2:
0x1e4: {  	_ =	swait.ge [sflag:s4], $0x2000  }
0x1e5: {  	[sflag:s4] =	ssyncset.done $0x0  }
0x1e6: {  	[sflag:s4] =	ssyncadd.s32 $0xFFFFE000  }
0x1e7: {  	[bflag:$0x0] =	sbarrier.arrive $0xFFFF  }
0x1e8: {  	[hbm:s30], [sflag:s7] =	dma.local @!p0 [spmem:s5], $0x400  }
0x1e9: {  	_ =	swait.ge @!p0 [sflag:s6], $0x400  }
0x1ea: {  	[sflag:s6] =	ssyncset.done @!p0 $0x0  }
0x1eb: {  	[sflag:s6] =	ssyncadd.s32 @!p0 $0xFFFFFC00  }
0x1ec: {  	_ =	sfence.sel $0x180000  }
0x1ed: {  	[bflag:$0x0] =	sbarrier.arrive $0xFFFF  }
0x1ee: {  	_ =	strace $0x90000047  }
0x1ef: {  	[bflag:$0x2] =	sbarrier.arrive $0xFFFF  }
0x1f0: {  	s0 =	rddreg [dreg:$0x3]  }
0x1f1: {  	s0 =	sadd.s32 @!p0 $0x100000, s0  }
0x1f2: {  	[sflag:s0] =	ssyncadd.tile.s32 @!p0 $0x1;
	_ =	shalt  }
.Lfunc_end2:
_tile_overlayer_lowered:
.L_overlay_start_2:
0x1f3: {  	(tag) =	ssettag $0x2  }
0x1f4: {  	s0 =	rddreg [dreg:$0x0];
	s2 =	stileid.u32  }
0x1f5: {  	s1 =	rddreg [dreg:$0x1];
	p0 =	sne.s32 s2, $0x0  }
0x1f6: {  	s3 =	rddreg [dreg:$0x2];
	[bflag:$0x3] =	sbarrier.arrive $0xFFFF;
	s2 =	simm.s32 @!p0 $0x1C03  }
0x1f7: {  	[timem:s3], [sflag:s2] =	dma.local @!p0 [hbm:s0], s1  }
0x1f8: {  	s0 =	simm.s32 @!p0 $0x3  }
0x1f9: {  	_ =	swait.ge @!p0 [sflag:s0], s1  }
0x1fa: {  	s1 =	ssub.s32 @!p0 $0x0, s1;
	[sflag:s0] =	ssyncset.done @!p0 $0x0  }
0x1fb: {  	[sflag:s0] =	ssyncadd.s32 @!p0 s1  }
0x1fc: {  	[bflag:$0x3] =	sbarrier.arrive $0xFFFF  }
0x1fd: {  	_ =	shalt  }

</sc_bundles>
